<compile_context>
chip_gen: v7x
topology: tpu7x:2x2x1
jax: 0.10.2.dev20260603
libtpu: 0.0.44.dev20260713+nightly
codegen_flags: <defaults>
</compile_context>

<pallas_src>
import functools

import jax
import jax.numpy as jnp
from jax import lax
from jax.experimental import pallas as pl
from jax.experimental.pallas import tpu as pltpu
from jax.experimental.pallas import tpu_sc as plsc

_B, _D, _H, _E = 2048, 1024, 4096, 8
_T = 128
_NB = _B // _T + _E
_P = _NB * _T
_HB = 1024
_BT = 256
_EPS = 1e-5

_info = plsc.get_sparse_core_info()
_NC, _NS = _info.num_cores, _info.num_subcores
_NW = _NC * _NS
_CB = _B // _NW


def _gate_body(z_ref, wg_ref, bg_ref,
               g_ref, idx_ref, rank_ref, counts_ref, ln_ref, runc_ref):
    i = pl.program_id(0)
    zb = z_ref[...]
    logits = lax.dot_general(zb, wg_ref[...], (((1,), (1,)), ((), ())),
                             preferred_element_type=jnp.float32)
    logits = logits + bg_ref[...]
    m = jnp.max(logits, axis=1, keepdims=True)
    p = jnp.exp(logits - m)
    g_ref[...] = p / jnp.sum(p, axis=1, keepdims=True)

    iota_e = lax.broadcasted_iota(jnp.int32, (_BT, _E), 1)
    idx2 = jnp.min(jnp.where(logits == m, iota_e, _E), axis=1,
                   keepdims=True)
    idx_ref[...] = idx2

    onehot = (iota_e == idx2).astype(jnp.float32)
    ti = lax.broadcasted_iota(jnp.int32, (_BT, _BT), 0)
    tj = lax.broadcasted_iota(jnp.int32, (_BT, _BT), 1)
    tri = (ti > tj).astype(jnp.float32)
    prev = lax.dot_general(tri, onehot, (((1,), (0,)), ((), ())),
                           preferred_element_type=jnp.float32)
    runc = jnp.where(i == 0, jnp.zeros((1, _E), jnp.float32), runc_ref[...])
    rank = jnp.sum((prev + runc) * onehot, axis=1, keepdims=True)
    rank_ref[...] = rank.astype(jnp.int32)
    newc = runc + jnp.sum(onehot, axis=0, keepdims=True)
    runc_ref[...] = newc
    counts_ref[...] = newc.astype(jnp.int32)

    mu = jnp.mean(zb, axis=1, keepdims=True)
    var = jnp.mean((zb - mu) ** 2, axis=1, keepdims=True)
    ln_ref[...] = (zb - mu) / jnp.sqrt(var + _EPS)


_gate_call = pl.pallas_call(
    _gate_body,
    grid=(_B // _BT,),
    in_specs=[
        pl.BlockSpec((_BT, _D), lambda i: (i, 0)),
        pl.BlockSpec((_E, _D), lambda i: (0, 0)),
        pl.BlockSpec((1, _E), lambda i: (0, 0)),
    ],
    out_specs=[
        pl.BlockSpec((_BT, _E), lambda i: (i, 0)),
        pl.BlockSpec((_BT, 1), lambda i: (i, 0)),
        pl.BlockSpec((_BT, 1), lambda i: (i, 0)),
        pl.BlockSpec((1, _E), lambda i: (0, 0)),
        pl.BlockSpec((_BT, _D), lambda i: (i, 0)),
    ],
    out_shape=[
        jax.ShapeDtypeStruct((_B, _E), jnp.float32),
        jax.ShapeDtypeStruct((_B, 1), jnp.int32),
        jax.ShapeDtypeStruct((_B, 1), jnp.int32),
        jax.ShapeDtypeStruct((1, _E), jnp.int32),
        jax.ShapeDtypeStruct((_B, _D), jnp.float32),
    ],
    scratch_shapes=[pltpu.VMEM((1, _E), jnp.float32)],
)


_sc_mesh = plsc.VectorSubcoreMesh(core_axis_name="c", subcore_axis_name="s")


@functools.partial(
    pl.kernel, mesh=_sc_mesh,
    out_type=jax.ShapeDtypeStruct((_P, _D), jnp.float32),
    scratch_types=[pltpu.VMEM((_CB,), jnp.int32),
                   pltpu.VMEM((_CB, _D), jnp.float32),
                   pltpu.SemaphoreType.DMA],
)
def _dispatch(ln_hbm, slots_hbm, xpad_hbm, slot_v, rows_v, sem):
    wid = lax.axis_index("s") * _NC + lax.axis_index("c")
    base = wid * _CB
    pltpu.sync_copy(slots_hbm.at[pl.ds(base, _CB)], slot_v)
    pltpu.sync_copy(ln_hbm.at[pl.ds(base, _CB)], rows_v)
    pltpu.async_copy(rows_v, xpad_hbm.at[slot_v], sem).wait()


def _ffn_body(be_ref, x_ref, w1_ref, b1_ref, w2_ref, lnw_ref, lnb_ref,
              b2_ref, out_ref):
    j = pl.program_id(0)
    xs = (x_ref[0] * lnw_ref[0] + lnb_ref[0]).astype(jnp.bfloat16)
    h = lax.dot_general(xs, w1_ref[0], (((1,), (1,)), ((), ())),
                        preferred_element_type=jnp.float32)
    h = h + b1_ref[0]
    h = 0.5 * h * (1.0 + lax.erf(h * 0.7071067811865476))
    part = lax.dot_general(w2_ref[0], h, (((1,), (1,)), ((), ())),
                           preferred_element_type=jnp.float32)
    out_ref[...] = (part + jnp.where(j == 0, b2_ref[0], 0.0))[:, None, :]


_ffn_call = pl.pallas_call(
    _ffn_body,
    grid_spec=pltpu.PrefetchScalarGridSpec(
        num_scalar_prefetch=1,
        grid=(_H // _HB, _NB),
        in_specs=[
            pl.BlockSpec((1, _T, _D), lambda j, i, be: (i, 0, 0)),
            pl.BlockSpec((1, _HB, _D), lambda j, i, be: (be[i], j, 0)),
            pl.BlockSpec((1, 1, _HB),
                         lambda j, i, be: (be[i] * (_H // _HB) + j, 0, 0)),
            pl.BlockSpec((1, 1, _HB),
                         lambda j, i, be: (be[i] * (_H // _HB) + j, 0, 0)),
            pl.BlockSpec((1, 1, _D), lambda j, i, be: (be[i], 0, 0)),
            pl.BlockSpec((1, 1, _D), lambda j, i, be: (be[i], 0, 0)),
            pl.BlockSpec((1, 1, 1), lambda j, i, be: (be[i], 0, 0)),
        ],
        out_specs=pl.BlockSpec((1, 1, _T),
                               lambda j, i, be: (j * _NB + i, 0, 0)),
    ),
    out_shape=jax.ShapeDtypeStruct(((_H // _HB) * _NB, 1, _T), jnp.float32),
)


@functools.partial(
    pl.kernel, mesh=_sc_mesh,
    out_type=jax.ShapeDtypeStruct((_B,), jnp.float32),
    scratch_types=[pltpu.VMEM((_CB,), jnp.int32),
                   pltpu.VMEM((_CB,), jnp.float32),
                   pltpu.SemaphoreType.DMA],
)
def _combine(ypad_hbm, slots_hbm, out_hbm, slot_v, val_v, sem):
    wid = lax.axis_index("s") * _NC + lax.axis_index("c")
    base = wid * _CB
    pltpu.sync_copy(slots_hbm.at[pl.ds(base, _CB)], slot_v)
    pltpu.async_copy(ypad_hbm.at[slot_v], val_v, sem).wait()
    pltpu.sync_copy(val_v, out_hbm.at[pl.ds(base, _CB)])


def kernel(z, Wg, bg, ln_w, ln_b, W1, b1, W2, b2):
    g, idx2, rank2, counts2, lncore = _gate_call(z, Wg, bg.reshape(1, _E))
    idx = idx2.reshape(_B)
    rank = rank2.reshape(_B)
    counts = counts2.reshape(_E)

    nblk = (counts + _T - 1) // _T
    cum = jnp.cumsum(nblk)
    pad_off = ((cum - nblk) * _T).astype(jnp.int32)
    ks = jnp.arange(_NB, dtype=jnp.int32)
    block_expert = jnp.minimum(
        jnp.sum((ks[:, None] >= cum[None, :]).astype(jnp.int32), axis=1),
        _E - 1).astype(jnp.int32)
    slots = rank + jnp.sum(
        jnp.where(idx[:, None] == jnp.arange(_E, dtype=jnp.int32)[None, :],
                  pad_off[None, :], 0), axis=1).astype(jnp.int32)

    xpad = _dispatch(lncore, slots)
    partials = _ffn_call(block_expert, xpad.reshape(_NB, _T, _D),
                         W1.astype(jnp.bfloat16),
                         b1.reshape(_E * (_H // _HB), 1, _HB),
                         W2.reshape(_E * (_H // _HB), 1, _HB),
                         ln_w.reshape(_E, 1, _D), ln_b.reshape(_E, 1, _D),
                         b2.reshape(_E, 1, 1))
    ypad = jnp.sum(partials.reshape(_H // _HB, _NB, _T), axis=0).reshape(_P)
    logits = _combine(ypad, slots)
    return (logits, g)

# --- scband reference (transcript-rebuilt; emitter-appended) ---
"""Pipeline reference for scband-mo-ehead-59631325938212 (READ-ONLY COPY).

The authoritative reference and input builder live on the scoring server;
editing this copy changes nothing except your own understanding.
"""

import jax, jax.numpy as jnp
import numpy as np

B, D, H, E = 2048, 1024, 4096, 8

def _layer_norm(x, w, b, eps=1e-5):
    mu = jnp.mean(x, axis=-1, keepdims=True)
    var = jnp.mean((x - mu) ** 2, axis=-1, keepdims=True)
    return (x - mu) / jnp.sqrt(var + eps) * w + b

def setup_inputs(seed: int = 0):
    key = jax.random.key(seed)
    ks = jax.random.split(key, 4)
    z = jax.random.normal(ks[0], (B, D), dtype=jnp.float32)
    Wg = jax.random.normal(ks[1], (E, D), dtype=jnp.float32) * 0.02
    bg = jnp.zeros((E,), jnp.float32)
    ln_w = jnp.ones((E, D), jnp.float32)
    ln_b = jnp.zeros((E, D), jnp.float32)
    W1 = jax.random.normal(ks[2], (E, H, D), dtype=jnp.float32) * 0.02
    b1 = jnp.zeros((E, H), jnp.float32)
    W2 = jax.random.normal(ks[3], (E, H), dtype=jnp.float32) * 0.02
    b2 = jnp.zeros((E,), jnp.float32)
    return {"z": z, "Wg": Wg, "bg": bg, "ln_w": ln_w, "ln_b": ln_b,
            "W1": W1, "b1": b1, "W2": W2, "b2": b2}

def reference(z, Wg, bg, ln_w, ln_b, W1, b1, W2, b2):
    # gate: softmax(Linear(z)); top-1 routing via argmax
    g = jax.nn.softmax(z @ Wg.T + bg, axis=-1)          # (B, E)
    idx = jnp.argmax(g, axis=-1)                        # (B,)
    # per-expert MLP: LayerNorm -> Linear(D,H) -> GELU(exact) -> Dropout(eval: identity) -> Linear(H,1)
    logits = jnp.zeros((z.shape[0],), z.dtype)
    for e in range(E):
        h = _layer_norm(z, ln_w[e], ln_b[e])            # (B, D)
        h = h @ W1[e].T + b1[e]                         # (B, H)
        h = jax.nn.gelu(h, approximate=False)
        y = h @ W2[e] + b2[e]                           # (B,)  num_classes=1, squeezed
        logits = jnp.where(idx == e, y, logits)
    return (logits, g)

if __name__ == "__main__":
    import jax
    _d = setup_inputs()
    print(jax.jit(kernel)(*tuple(_d.values())))

</pallas_src>

<mosaic_0001>
#map = affine_map<(d0, d1) -> (0)>
module attributes {stable_mosaic.version = 14 : i64} {
  func.func @_combine(%arg0: i32, %arg1: i32, %arg2: memref<3072xf32, #tpu.memory_space<hbm>>, %arg3: memref<2048xi32, #tpu.memory_space<hbm>>, %arg4: memref<2048xf32, #tpu.memory_space<hbm>>, %arg5: memref<64xi32, #tpu.memory_space<vmem>>, %arg6: memref<64xf32, #tpu.memory_space<vmem>>, %arg7: memref<!tpu.dma_semaphore, #tpu.memory_space<semaphore_mem>>) attributes {dimension_semantics = [#tpu.dimension_semantics<core_parallel>, #tpu.dimension_semantics<subcore_parallel>], iteration_bounds = array<i64: 2, 16>, scalar_prefetch = 0 : i64, scratch_operands = 3 : i64, tpu.core_type = #tpu.core_type<sc_vector_subcore>, window_params = [{transform_indices = #map}, {transform_indices = #map}, {transform_indices = #map}]} {
    %mul3A = arith.constant 2 : i32
    %mul3A_0 = arith.muli %arg1, %mul3A : i32
    %add3A = arith.addi %mul3A_0, %arg0 : i32
    %mul3A_1 = arith.constant 64 : i32
    %mul3A_2 = arith.muli %add3A, %mul3A_1 : i32
    "tpu.region"() ({
      %run_scoped3A = tpu.sem_alloc : memref<!tpu.dma_semaphore, #tpu.memory_space<semaphore_mem>>
      %dma_start3A_5 = tpu.memref_slice %arg3[%mul3A_2] : memref<2048xi32, #tpu.memory_space<hbm>> -> memref<64xi32, #tpu.memory_space<hbm>>
      %dma_start3A_6 = tpu.memref_slice %arg3[%mul3A_2] : memref<2048xi32, #tpu.memory_space<hbm>> -> memref<64xi32, #tpu.memory_space<hbm>>
      tpu.enqueue_dma source(%dma_start3A_6 : memref<64xi32, #tpu.memory_space<hbm>>) target(%arg5 : memref<64xi32, #tpu.memory_space<vmem>>) target_semaphore(%run_scoped3A : memref<!tpu.dma_semaphore, #tpu.memory_space<semaphore_mem>>)
      %dma_wait3A_7 = tpu.memref_slice %arg3[%mul3A_2] : memref<2048xi32, #tpu.memory_space<hbm>> -> memref<64xi32, #tpu.memory_space<hbm>>
      %dma_wait3A_8 = tpu.memref_slice %arg3[%mul3A_2] : memref<2048xi32, #tpu.memory_space<hbm>> -> memref<64xi32, #tpu.memory_space<hbm>>
      tpu.wait_dma2 semaphore(%run_scoped3A : memref<!tpu.dma_semaphore, #tpu.memory_space<semaphore_mem>>) src(%dma_wait3A_8 : memref<64xi32, #tpu.memory_space<hbm>>) dst(%arg5 : memref<64xi32, #tpu.memory_space<vmem>>)
      tpu.yield
    }) : () -> ()
    %dma_start3A = arith.constant 0 : i32
    %dma_start3A_3 = tpu.memref_slice %arg2[%dma_start3A] : memref<3072xf32, #tpu.memory_space<hbm>> -> memref<3072xf32, #tpu.memory_space<hbm>>
    tpu.enqueue_indirect_dma source(%dma_start3A_3 : memref<3072xf32, #tpu.memory_space<hbm>>) target(%arg6 : memref<64xf32, #tpu.memory_space<vmem>>) offsets(%arg5 : memref<64xi32, #tpu.memory_space<vmem>>) semaphore(%arg7 : memref<!tpu.dma_semaphore, #tpu.memory_space<semaphore_mem>>)
    %dma_wait3A = arith.constant 0 : i32
    %dma_wait3A_4 = tpu.memref_slice %arg2[%dma_wait3A] : memref<3072xf32, #tpu.memory_space<hbm>> -> memref<3072xf32, #tpu.memory_space<hbm>>
    tpu.wait_indirect_dma semaphore(%arg7 : memref<!tpu.dma_semaphore, #tpu.memory_space<semaphore_mem>>) src(%dma_wait3A_4 : memref<3072xf32, #tpu.memory_space<hbm>>) dst(%arg6 : memref<64xf32, #tpu.memory_space<vmem>>)
    "tpu.region"() ({
      %run_scoped3A = tpu.sem_alloc : memref<!tpu.dma_semaphore, #tpu.memory_space<semaphore_mem>>
      %dma_start3A_5 = tpu.memref_slice %arg4[%mul3A_2] : memref<2048xf32, #tpu.memory_space<hbm>> -> memref<64xf32, #tpu.memory_space<hbm>>
      %dma_start3A_6 = tpu.memref_slice %arg4[%mul3A_2] : memref<2048xf32, #tpu.memory_space<hbm>> -> memref<64xf32, #tpu.memory_space<hbm>>
      tpu.enqueue_dma source(%arg6 : memref<64xf32, #tpu.memory_space<vmem>>) target(%dma_start3A_6 : memref<64xf32, #tpu.memory_space<hbm>>) target_semaphore(%run_scoped3A : memref<!tpu.dma_semaphore, #tpu.memory_space<semaphore_mem>>)
      %dma_wait3A_7 = tpu.memref_slice %arg4[%mul3A_2] : memref<2048xf32, #tpu.memory_space<hbm>> -> memref<64xf32, #tpu.memory_space<hbm>>
      %dma_wait3A_8 = tpu.memref_slice %arg4[%mul3A_2] : memref<2048xf32, #tpu.memory_space<hbm>> -> memref<64xf32, #tpu.memory_space<hbm>>
      tpu.wait_dma2 semaphore(%run_scoped3A : memref<!tpu.dma_semaphore, #tpu.memory_space<semaphore_mem>>) src(%arg6 : memref<64xf32, #tpu.memory_space<vmem>>) dst(%dma_wait3A_8 : memref<64xf32, #tpu.memory_space<hbm>>)
      tpu.yield
    }) : () -> ()
    return
  }
}

#map = affine_map<(d0, d1) -> (0, 0)>
#map1 = affine_map<(d0, d1) -> (0)>
module attributes {stable_mosaic.version = 14 : i64} {
  func.func @_dispatch(%arg0: i32, %arg1: i32, %arg2: memref<2048x1024xf32, #tpu.memory_space<hbm>>, %arg3: memref<2048xi32, #tpu.memory_space<hbm>>, %arg4: memref<3072x1024xf32, #tpu.memory_space<hbm>>, %arg5: memref<64xi32, #tpu.memory_space<vmem>>, %arg6: memref<64x1024xf32, #tpu.memory_space<vmem>>, %arg7: memref<!tpu.dma_semaphore, #tpu.memory_space<semaphore_mem>>) attributes {dimension_semantics = [#tpu.dimension_semantics<core_parallel>, #tpu.dimension_semantics<subcore_parallel>], iteration_bounds = array<i64: 2, 16>, scalar_prefetch = 0 : i64, scratch_operands = 3 : i64, tpu.core_type = #tpu.core_type<sc_vector_subcore>, window_params = [{transform_indices = #map}, {transform_indices = #map1}, {transform_indices = #map}]} {
    %mul3A = arith.constant 2 : i32
    %mul3A_0 = arith.muli %arg1, %mul3A : i32
    %add3A = arith.addi %mul3A_0, %arg0 : i32
    %mul3A_1 = arith.constant 64 : i32
    %mul3A_2 = arith.muli %add3A, %mul3A_1 : i32
    "tpu.region"() ({
      %run_scoped3A = tpu.sem_alloc : memref<!tpu.dma_semaphore, #tpu.memory_space<semaphore_mem>>
      %dma_start3A_7 = tpu.memref_slice %arg3[%mul3A_2] : memref<2048xi32, #tpu.memory_space<hbm>> -> memref<64xi32, #tpu.memory_space<hbm>>
      %dma_start3A_8 = tpu.memref_slice %arg3[%mul3A_2] : memref<2048xi32, #tpu.memory_space<hbm>> -> memref<64xi32, #tpu.memory_space<hbm>>
      tpu.enqueue_dma source(%dma_start3A_8 : memref<64xi32, #tpu.memory_space<hbm>>) target(%arg5 : memref<64xi32, #tpu.memory_space<vmem>>) target_semaphore(%run_scoped3A : memref<!tpu.dma_semaphore, #tpu.memory_space<semaphore_mem>>)
      %dma_wait3A_9 = tpu.memref_slice %arg3[%mul3A_2] : memref<2048xi32, #tpu.memory_space<hbm>> -> memref<64xi32, #tpu.memory_space<hbm>>
      %dma_wait3A_10 = tpu.memref_slice %arg3[%mul3A_2] : memref<2048xi32, #tpu.memory_space<hbm>> -> memref<64xi32, #tpu.memory_space<hbm>>
      tpu.wait_dma2 semaphore(%run_scoped3A : memref<!tpu.dma_semaphore, #tpu.memory_space<semaphore_mem>>) src(%dma_wait3A_10 : memref<64xi32, #tpu.memory_space<hbm>>) dst(%arg5 : memref<64xi32, #tpu.memory_space<vmem>>)
      tpu.yield
    }) : () -> ()
    "tpu.region"() ({
      %run_scoped3A = tpu.sem_alloc : memref<!tpu.dma_semaphore, #tpu.memory_space<semaphore_mem>>
      %dma_start3A_7 = arith.constant 0 : i32
      %dma_start3A_8 = tpu.memref_slice %arg2[%mul3A_2, %dma_start3A_7] : memref<2048x1024xf32, #tpu.memory_space<hbm>> -> memref<64x1024xf32, #tpu.memory_space<hbm>>
      %dma_start3A_9 = arith.constant 0 : i32
      %dma_start3A_10 = tpu.memref_slice %arg2[%mul3A_2, %dma_start3A_9] : memref<2048x1024xf32, #tpu.memory_space<hbm>> -> memref<64x1024xf32, #tpu.memory_space<hbm>>
      tpu.enqueue_dma source(%dma_start3A_10 : memref<64x1024xf32, #tpu.memory_space<hbm>>) target(%arg6 : memref<64x1024xf32, #tpu.memory_space<vmem>>) target_semaphore(%run_scoped3A : memref<!tpu.dma_semaphore, #tpu.memory_space<semaphore_mem>>)
      %dma_wait3A_11 = arith.constant 0 : i32
      %dma_wait3A_12 = tpu.memref_slice %arg2[%mul3A_2, %dma_wait3A_11] : memref<2048x1024xf32, #tpu.memory_space<hbm>> -> memref<64x1024xf32, #tpu.memory_space<hbm>>
      %dma_wait3A_13 = arith.constant 0 : i32
      %dma_wait3A_14 = tpu.memref_slice %arg2[%mul3A_2, %dma_wait3A_13] : memref<2048x1024xf32, #tpu.memory_space<hbm>> -> memref<64x1024xf32, #tpu.memory_space<hbm>>
      tpu.wait_dma2 semaphore(%run_scoped3A : memref<!tpu.dma_semaphore, #tpu.memory_space<semaphore_mem>>) src(%dma_wait3A_14 : memref<64x1024xf32, #tpu.memory_space<hbm>>) dst(%arg6 : memref<64x1024xf32, #tpu.memory_space<vmem>>)
      tpu.yield
    }) : () -> ()
    %dma_start3A = arith.constant 0 : i32
    %dma_start3A_3 = arith.constant 0 : i32
    %dma_start3A_4 = tpu.memref_slice %arg4[%dma_start3A, %dma_start3A_3] : memref<3072x1024xf32, #tpu.memory_space<hbm>> -> memref<3072x1024xf32, #tpu.memory_space<hbm>>
    tpu.enqueue_indirect_dma source(%arg6 : memref<64x1024xf32, #tpu.memory_space<vmem>>) target(%dma_start3A_4 : memref<3072x1024xf32, #tpu.memory_space<hbm>>) offsets(%arg5 : memref<64xi32, #tpu.memory_space<vmem>>) semaphore(%arg7 : memref<!tpu.dma_semaphore, #tpu.memory_space<semaphore_mem>>)
    %dma_wait3A = arith.constant 0 : i32
    %dma_wait3A_5 = arith.constant 0 : i32
    %dma_wait3A_6 = tpu.memref_slice %arg4[%dma_wait3A, %dma_wait3A_5] : memref<3072x1024xf32, #tpu.memory_space<hbm>> -> memref<3072x1024xf32, #tpu.memory_space<hbm>>
    tpu.wait_indirect_dma semaphore(%arg7 : memref<!tpu.dma_semaphore, #tpu.memory_space<semaphore_mem>>) src(%arg6 : memref<64x1024xf32, #tpu.memory_space<vmem>>) dst(%dma_wait3A_6 : memref<3072x1024xf32, #tpu.memory_space<hbm>>)
    return
  }
}

module attributes {stable_mosaic.version = 14 : i64} {
  func.func @_gate_body(%arg0: i32, %arg1: memref<256x1024xf32, #tpu.memory_space<vmem>>, %arg2: memref<8x1024xf32, #tpu.memory_space<vmem>>, %arg3: memref<1x8xf32, #tpu.memory_space<vmem>>, %arg4: memref<256x8xf32, #tpu.memory_space<vmem>>, %arg5: memref<256x1xi32, #tpu.memory_space<vmem>>, %arg6: memref<256x1xi32, #tpu.memory_space<vmem>>, %arg7: memref<1x8xi32, #tpu.memory_space<vmem>>, %arg8: memref<256x1024xf32, #tpu.memory_space<vmem>>, %arg9: memref<1x8xf32, #tpu.memory_space<vmem>>) attributes {dimension_semantics = [#tpu.dimension_semantics<arbitrary>], iteration_bounds = array<i64: 8>, scalar_prefetch = 0 : i64, scratch_operands = 1 : i64, tpu.core_type = #tpu.core_type<tc>, window_params = [{transform_indices = @transform_0, window_bounds = array<i64: 256, 1024>}, {pipeline_mode = #tpu.pipeline_mode<synchronous>, transform_indices = @transform_1, window_bounds = array<i64: 8, 1024>}, {pipeline_mode = #tpu.pipeline_mode<synchronous>, transform_indices = @transform_2, window_bounds = array<i64: 1, 8>}, {transform_indices = @transform_3, window_bounds = array<i64: 256, 8>}, {transform_indices = @transform_4, window_bounds = array<i64: 256, 1>}, {transform_indices = @transform_5, window_bounds = array<i64: 256, 1>}, {pipeline_mode = #tpu.pipeline_mode<synchronous>, transform_indices = @transform_6, window_bounds = array<i64: 1, 8>}, {transform_indices = @transform_7, window_bounds = array<i64: 256, 1024>}]} {
    %get3A = arith.constant 0 : index
    %get3A_0 = arith.constant 0 : index
    %get3A_1 = vector.load %arg1[%get3A, %get3A_0] : memref<256x1024xf32, #tpu.memory_space<vmem>>, vector<256x1024xf32>
    %get3A_2 = arith.constant 0 : index
    %get3A_3 = arith.constant 0 : index
    %get3A_4 = vector.load %arg2[%get3A_2, %get3A_3] : memref<8x1024xf32, #tpu.memory_space<vmem>>, vector<8x1024xf32>
    %dot_general3A = arith.constant dense<0.000000e+00> : vector<256x8xf32>
    %dot_general3A_5 = tpu.matmul %get3A_1, %get3A_4, %dot_general3A {dimension_numbers = #tpu.dot_dimension_numbers<[1], [1], [0], [0], [0, 0, 1, 0], [], []>, transpose_lhs_hint = false} : vector<256x1024xf32>, vector<8x1024xf32>, vector<256x8xf32> -> vector<256x8xf32>
    %get3A_6 = arith.constant 0 : index
    %get3A_7 = arith.constant 0 : index
    %get3A_8 = vector.load %arg3[%get3A_6, %get3A_7] : memref<1x8xf32, #tpu.memory_space<vmem>>, vector<1x8xf32>
    %add3A = vector.broadcast %get3A_8 : vector<1x8xf32> to vector<256x8xf32>
    %add3A_9 = arith.addf %dot_general3A_5, %add3A : vector<256x8xf32>
    %reduce_max3A = arith.constant dense<0xFF800000> : vector<256xf32>
    %reduce_max3A_10 = vector.multi_reduction <maximumf>, %add3A_9, %reduce_max3A [1] : vector<256x8xf32> to vector<256xf32>
    %broadcast_in_dim3A = vector.shape_cast %reduce_max3A_10 : vector<256xf32> to vector<256x1xf32>
    %sub3A = vector.broadcast %broadcast_in_dim3A : vector<256x1xf32> to vector<256x8xf32>
    %sub3A_11 = arith.subf %add3A_9, %sub3A : vector<256x8xf32>
    %exp3A = math.exp %sub3A_11 : vector<256x8xf32>
    %reduce_sum3A = arith.constant dense<0.000000e+00> : vector<256xf32>
    %reduce_sum3A_12 = vector.multi_reduction <add>, %exp3A, %reduce_sum3A [1] : vector<256x8xf32> to vector<256xf32>
    %broadcast_in_dim3A_13 = vector.shape_cast %reduce_sum3A_12 : vector<256xf32> to vector<256x1xf32>
    %div3A = vector.broadcast %broadcast_in_dim3A_13 : vector<256x1xf32> to vector<256x8xf32>
    %div3A_14 = arith.divf %exp3A, %div3A : vector<256x8xf32>
    %swap3A = arith.constant 0 : index
    %swap3A_15 = arith.constant 0 : index
    %swap3A_16 = vector.load %arg4[%swap3A, %swap3A_15] : memref<256x8xf32, #tpu.memory_space<vmem>>, vector<256x8xf32>
    tpu.vector_store %arg4[%swap3A, %swap3A_15], %div3A_14 {strides = array<i32>} : memref<256x8xf32, #tpu.memory_space<vmem>>, vector<256x8xf32>,
    %iota3A = tpu.iota {dimensions = array<i32: 1>} : vector<256x8xi32>
    %eq3A = vector.broadcast %broadcast_in_dim3A : vector<256x1xf32> to vector<256x8xf32>
    %eq3A_17 = arith.cmpf oeq, %add3A_9, %eq3A : vector<256x8xf32>
    %jit3A = arith.constant 8 : i32
    %broadcast_in_dim3A_18 = vector.broadcast %jit3A : i32 to vector<256x8xi32>
    %select_n3A = arith.select %eq3A_17, %iota3A, %broadcast_in_dim3A_18 : vector<256x8xi1>, vector<256x8xi32>
    %reduce_min3A = arith.constant dense<2147483647> : vector<256xi32>
    %reduce_min3A_19 = vector.multi_reduction <minsi>, %select_n3A, %reduce_min3A [1] : vector<256x8xi32> to vector<256xi32>
    %broadcast_in_dim3A_20 = vector.shape_cast %reduce_min3A_19 : vector<256xi32> to vector<256x1xi32>
    %swap3A_21 = arith.constant 0 : index
    %swap3A_22 = arith.constant 0 : index
    %swap3A_23 = vector.load %arg5[%swap3A_21, %swap3A_22] : memref<256x1xi32, #tpu.memory_space<vmem>>, vector<256x1xi32>
    tpu.vector_store %arg5[%swap3A_21, %swap3A_22], %broadcast_in_dim3A_20 {strides = array<i32>} : memref<256x1xi32, #tpu.memory_space<vmem>>, vector<256x1xi32>,
    %eq3A_24 = vector.broadcast %broadcast_in_dim3A_20 : vector<256x1xi32> to vector<256x8xi32>
    %eq3A_25 = arith.cmpi eq, %iota3A, %eq3A_24 : vector<256x8xi32>
    %convert_element_type3A = arith.extui %eq3A_25 : vector<256x8xi1> to vector<256x8xi32>
    %convert_element_type3A_26 = arith.sitofp %convert_element_type3A : vector<256x8xi32> to vector<256x8xf32>
    %iota3A_27 = tpu.iota {dimensions = array<i32: 0>} : vector<256x256xi32>
    %iota3A_28 = tpu.iota {dimensions = array<i32: 1>} : vector<256x256xi32>
    %gt3A = arith.cmpi sgt, %iota3A_27, %iota3A_28 : vector<256x256xi32>
    %convert_element_type3A_29 = arith.extui %gt3A : vector<256x256xi1> to vector<256x256xi32>
    %convert_element_type3A_30 = arith.sitofp %convert_element_type3A_29 : vector<256x256xi32> to vector<256x256xf32>
    %dot_general3A_31 = arith.constant dense<0.000000e+00> : vector<256x8xf32>
    %dot_general3A_32 = tpu.matmul %convert_element_type3A_30, %convert_element_type3A_26, %dot_general3A_31 {dimension_numbers = #tpu.dot_dimension_numbers<[1], [0], [0], [1], [0, 0, 1, 1], [], []>, transpose_lhs_hint = false} : vector<256x256xf32>, vector<256x8xf32>, vector<256x8xf32> -> vector<256x8xf32>
    %eq3A_33 = arith.constant 0 : i32
    %eq3A_34 = arith.cmpi eq, %arg0, %eq3A_33 : i32
    %broadcast_in_dim3A_35 = arith.constant 0.000000e+00 : f32
    %broadcast_in_dim3A_36 = vector.broadcast %broadcast_in_dim3A_35 : f32 to vector<1x8xf32>
    %get3A_37 = arith.constant 0 : index
    %get3A_38 = arith.constant 0 : index
    %get3A_39 = vector.load %arg9[%get3A_37, %get3A_38] : memref<1x8xf32, #tpu.memory_space<vmem>>, vector<1x8xf32>
    %select_n3A_40 = arith.select %eq3A_34, %broadcast_in_dim3A_36, %get3A_39 : vector<1x8xf32>
    %add3A_41 = vector.broadcast %select_n3A_40 : vector<1x8xf32> to vector<256x8xf32>
    %add3A_42 = arith.addf %dot_general3A_32, %add3A_41 : vector<256x8xf32>
    %mul3A = arith.mulf %add3A_42, %convert_element_type3A_26 : vector<256x8xf32>
    %reduce_sum3A_43 = arith.constant dense<0.000000e+00> : vector<256xf32>
    %reduce_sum3A_44 = vector.multi_reduction <add>, %mul3A, %reduce_sum3A_43 [1] : vector<256x8xf32> to vector<256xf32>
    %broadcast_in_dim3A_45 = vector.shape_cast %reduce_sum3A_44 : vector<256xf32> to vector<256x1xf32>
    %convert_element_type3A_46 = arith.fptosi %broadcast_in_dim3A_45 : vector<256x1xf32> to vector<256x1xi32>
    %swap3A_47 = arith.constant 0 : index
    %swap3A_48 = arith.constant 0 : index
    %swap3A_49 = vector.load %arg6[%swap3A_47, %swap3A_48] : memref<256x1xi32, #tpu.memory_space<vmem>>, vector<256x1xi32>
    tpu.vector_store %arg6[%swap3A_47, %swap3A_48], %convert_element_type3A_46 {strides = array<i32>} : memref<256x1xi32, #tpu.memory_space<vmem>>, vector<256x1xi32>,
    %reduce_sum3A_50 = arith.constant dense<0.000000e+00> : vector<8xf32>
    %reduce_sum3A_51 = vector.multi_reduction <add>, %convert_element_type3A_26, %reduce_sum3A_50 [0] : vector<256x8xf32> to vector<8xf32>
    %broadcast_in_dim3A_52 = vector.shape_cast %reduce_sum3A_51 : vector<8xf32> to vector<1x8xf32>
    %add3A_53 = arith.addf %select_n3A_40, %broadcast_in_dim3A_52 : vector<1x8xf32>
    %swap3A_54 = arith.constant 0 : index
    %swap3A_55 = arith.constant 0 : index
    %swap3A_56 = vector.load %arg9[%swap3A_54, %swap3A_55] : memref<1x8xf32, #tpu.memory_space<vmem>>, vector<1x8xf32>
    tpu.vector_store %arg9[%swap3A_54, %swap3A_55], %add3A_53 {strides = array<i32>} : memref<1x8xf32, #tpu.memory_space<vmem>>, vector<1x8xf32>,
    %convert_element_type3A_57 = arith.fptosi %add3A_53 : vector<1x8xf32> to vector<1x8xi32>
    %swap3A_58 = arith.constant 0 : index
    %swap3A_59 = arith.constant 0 : index
    %swap3A_60 = vector.load %arg7[%swap3A_58, %swap3A_59] : memref<1x8xi32, #tpu.memory_space<vmem>>, vector<1x8xi32>
    tpu.vector_store %arg7[%swap3A_58, %swap3A_59], %convert_element_type3A_57 {strides = array<i32>} : memref<1x8xi32, #tpu.memory_space<vmem>>, vector<1x8xi32>,
    %reduce_sum3A_61 = arith.constant dense<0.000000e+00> : vector<256xf32>
    %reduce_sum3A_62 = vector.multi_reduction <add>, %get3A_1, %reduce_sum3A_61 [1] : vector<256x1024xf32> to vector<256xf32>
    %broadcast_in_dim3A_63 = vector.shape_cast %reduce_sum3A_62 : vector<256xf32> to vector<256x1xf32>
    %div3A_64 = arith.constant 1.024000e+03 : f32
    %div3A_65 = vector.broadcast %div3A_64 : f32 to vector<256x1xf32>
    %div3A_66 = arith.divf %broadcast_in_dim3A_63, %div3A_65 : vector<256x1xf32>
    %sub3A_67 = vector.broadcast %div3A_66 : vector<256x1xf32> to vector<256x1024xf32>
    %sub3A_68 = arith.subf %get3A_1, %sub3A_67 : vector<256x1024xf32>
    %integer_pow3A = arith.mulf %sub3A_68, %sub3A_68 : vector<256x1024xf32>
    %reduce_sum3A_69 = arith.constant dense<0.000000e+00> : vector<256xf32>
    %reduce_sum3A_70 = vector.multi_reduction <add>, %integer_pow3A, %reduce_sum3A_69 [1] : vector<256x1024xf32> to vector<256xf32>
    %broadcast_in_dim3A_71 = vector.shape_cast %reduce_sum3A_70 : vector<256xf32> to vector<256x1xf32>
    %div3A_72 = arith.constant 1.024000e+03 : f32
    %div3A_73 = vector.broadcast %div3A_72 : f32 to vector<256x1xf32>
    %div3A_74 = arith.divf %broadcast_in_dim3A_71, %div3A_73 : vector<256x1xf32>
    %sub3A_75 = vector.broadcast %div3A_66 : vector<256x1xf32> to vector<256x1024xf32>
    %sub3A_76 = arith.subf %get3A_1, %sub3A_75 : vector<256x1024xf32>
    %add3A_77 = arith.constant 9.99999974E-6 : f32
    %add3A_78 = vector.broadcast %add3A_77 : f32 to vector<256x1xf32>
    %add3A_79 = arith.addf %div3A_74, %add3A_78 : vector<256x1xf32>
    %sqrt3A = math.sqrt %add3A_79 : vector<256x1xf32>
    %div3A_80 = vector.broadcast %sqrt3A : vector<256x1xf32> to vector<256x1024xf32>
    %div3A_81 = arith.divf %sub3A_76, %div3A_80 : vector<256x1024xf32>
    %swap3A_82 = arith.constant 0 : index
    %swap3A_83 = arith.constant 0 : index
    %swap3A_84 = vector.load %arg8[%swap3A_82, %swap3A_83] : memref<256x1024xf32, #tpu.memory_space<vmem>>, vector<256x1024xf32>
    tpu.vector_store %arg8[%swap3A_82, %swap3A_83], %div3A_81 {strides = array<i32>} : memref<256x1024xf32, #tpu.memory_space<vmem>>, vector<256x1024xf32>,
    return
  }
  func.func @transform_0(%arg0: i32) -> (i32, i32) {
    %c0_i32 = arith.constant 0 : i32
    %c0_i32_0 = arith.constant 0 : i32
    return %arg0, %c0_i32 : i32, i32
  }
  func.func @transform_1(%arg0: i32) -> (i32, i32) {
    %c0_i32 = arith.constant 0 : i32
    %c0_i32_0 = arith.constant 0 : i32
    %c0_i32_1 = arith.constant 0 : i32
    return %c0_i32, %c0_i32_0 : i32, i32
  }
  func.func @transform_2(%arg0: i32) -> (i32, i32) {
    %c0_i32 = arith.constant 0 : i32
    %c0_i32_0 = arith.constant 0 : i32
    %c0_i32_1 = arith.constant 0 : i32
    return %c0_i32, %c0_i32_0 : i32, i32
  }
  func.func @transform_3(%arg0: i32) -> (i32, i32) {
    %c0_i32 = arith.constant 0 : i32
    %c0_i32_0 = arith.constant 0 : i32
    return %arg0, %c0_i32 : i32, i32
  }
  func.func @transform_4(%arg0: i32) -> (i32, i32) {
    %c0_i32 = arith.constant 0 : i32
    %c0_i32_0 = arith.constant 0 : i32
    return %arg0, %c0_i32 : i32, i32
  }
  func.func @transform_5(%arg0: i32) -> (i32, i32) {
    %c0_i32 = arith.constant 0 : i32
    %c0_i32_0 = arith.constant 0 : i32
    return %arg0, %c0_i32 : i32, i32
  }
  func.func @transform_6(%arg0: i32) -> (i32, i32) {
    %c0_i32 = arith.constant 0 : i32
    %c0_i32_0 = arith.constant 0 : i32
    %c0_i32_1 = arith.constant 0 : i32
    return %c0_i32, %c0_i32_0 : i32, i32
  }
  func.func @transform_7(%arg0: i32) -> (i32, i32) {
    %c0_i32 = arith.constant 0 : i32
    %c0_i32_0 = arith.constant 0 : i32
    return %arg0, %c0_i32 : i32, i32
  }
}

module attributes {stable_mosaic.version = 14 : i64} {
  func.func @_ffn_body(%arg0: i32, %arg1: i32, %arg2: memref<24xi32, #tpu.memory_space<smem>>, %arg3: memref<1x128x1024xf32, #tpu.memory_space<vmem>>, %arg4: memref<1x1024x1024xbf16, #tpu.memory_space<vmem>>, %arg5: memref<1x1x1024xf32, #tpu.memory_space<vmem>>, %arg6: memref<1x1x1024xf32, #tpu.memory_space<vmem>>, %arg7: memref<1x1x1024xf32, #tpu.memory_space<vmem>>, %arg8: memref<1x1x1024xf32, #tpu.memory_space<vmem>>, %arg9: memref<1x1x1xf32, #tpu.memory_space<vmem>>, %arg10: memref<1x1x128xf32, #tpu.memory_space<vmem>>) attributes {dimension_semantics = [#tpu.dimension_semantics<arbitrary>, #tpu.dimension_semantics<arbitrary>], iteration_bounds = array<i64: 4, 24>, scalar_prefetch = 1 : i64, scratch_operands = 0 : i64, tpu.core_type = #tpu.core_type<tc>, window_params = [{transform_indices = @transform_0, window_bounds = array<i64: 1, 128, 1024>}, {transform_indices = @transform_1, window_bounds = array<i64: 1, 1024, 1024>}, {transform_indices = @transform_2, window_bounds = array<i64: 1, 1, 1024>}, {transform_indices = @transform_3, window_bounds = array<i64: 1, 1, 1024>}, {transform_indices = @transform_4, window_bounds = array<i64: 1, 1, 1024>}, {transform_indices = @transform_5, window_bounds = array<i64: 1, 1, 1024>}, {transform_indices = @transform_6, window_bounds = array<i64: 1, 1, 1>}, {transform_indices = @transform_7, window_bounds = array<i64: 1, 1, 128>}]} {
    %get3A = arith.constant 0 : index
    %get3A_0 = arith.constant 0 : index
    %get3A_1 = arith.constant 0 : index
    %get3A_2 = vector.load %arg3[%get3A, %get3A_0, %get3A_1] : memref<1x128x1024xf32, #tpu.memory_space<vmem>>, vector<1x128x1024xf32>
    %get3A_3 = vector.shape_cast %get3A_2 : vector<1x128x1024xf32> to vector<128x1024xf32>
    %get3A_4 = arith.constant 0 : index
    %get3A_5 = arith.constant 0 : index
    %get3A_6 = arith.constant 0 : index
    %get3A_7 = vector.load %arg7[%get3A_4, %get3A_5, %get3A_6] : memref<1x1x1024xf32, #tpu.memory_space<vmem>>, vector<1x1x1024xf32>
    %get3A_8 = vector.shape_cast %get3A_7 : vector<1x1x1024xf32> to vector<1x1024xf32>
    %mul3A = vector.broadcast %get3A_8 : vector<1x1024xf32> to vector<128x1024xf32>
    %mul3A_9 = arith.mulf %get3A_3, %mul3A : vector<128x1024xf32>
    %get3A_10 = arith.constant 0 : index
    %get3A_11 = arith.constant 0 : index
    %get3A_12 = arith.constant 0 : index
    %get3A_13 = vector.load %arg8[%get3A_10, %get3A_11, %get3A_12] : memref<1x1x1024xf32, #tpu.memory_space<vmem>>, vector<1x1x1024xf32>
    %get3A_14 = vector.shape_cast %get3A_13 : vector<1x1x1024xf32> to vector<1x1024xf32>
    %add3A = vector.broadcast %get3A_14 : vector<1x1024xf32> to vector<128x1024xf32>
    %add3A_15 = arith.addf %mul3A_9, %add3A : vector<128x1024xf32>
    %convert_element_type3A = arith.truncf %add3A_15 : vector<128x1024xf32> to vector<128x1024xbf16>
    %get3A_16 = arith.constant 0 : index
    %get3A_17 = arith.constant 0 : index
    %get3A_18 = arith.constant 0 : index
    %get3A_19 = vector.load %arg4[%get3A_16, %get3A_17, %get3A_18] : memref<1x1024x1024xbf16, #tpu.memory_space<vmem>>, vector<1x1024x1024xbf16>
    %get3A_20 = vector.shape_cast %get3A_19 : vector<1x1024x1024xbf16> to vector<1024x1024xbf16>
    %dot_general3A = arith.constant dense<0.000000e+00> : vector<128x1024xf32>
    %dot_general3A_21 = tpu.matmul %convert_element_type3A, %get3A_20, %dot_general3A {dimension_numbers = #tpu.dot_dimension_numbers<[1], [1], [0], [0], [0, 0, 1, 0], [], []>, transpose_lhs_hint = false} : vector<128x1024xbf16>, vector<1024x1024xbf16>, vector<128x1024xf32> -> vector<128x1024xf32>
    %get3A_22 = arith.constant 0 : index
    %get3A_23 = arith.constant 0 : index
    %get3A_24 = arith.constant 0 : index
    %get3A_25 = vector.load %arg5[%get3A_22, %get3A_23, %get3A_24] : memref<1x1x1024xf32, #tpu.memory_space<vmem>>, vector<1x1x1024xf32>
    %get3A_26 = vector.shape_cast %get3A_25 : vector<1x1x1024xf32> to vector<1x1024xf32>
    %add3A_27 = vector.broadcast %get3A_26 : vector<1x1024xf32> to vector<128x1024xf32>
    %add3A_28 = arith.addf %dot_general3A_21, %add3A_27 : vector<128x1024xf32>
    %mul3A_29 = arith.constant 5.000000e-01 : f32
    %mul3A_30 = vector.broadcast %mul3A_29 : f32 to vector<128x1024xf32>
    %mul3A_31 = arith.mulf %mul3A_30, %add3A_28 : vector<128x1024xf32>
    %mul3A_32 = arith.constant 0.707106769 : f32
    %mul3A_33 = vector.broadcast %mul3A_32 : f32 to vector<128x1024xf32>
    %mul3A_34 = arith.mulf %add3A_28, %mul3A_33 : vector<128x1024xf32>
    %erf3A = math.erf %mul3A_34 : vector<128x1024xf32>
    %add3A_35 = arith.constant 1.000000e+00 : f32
    %add3A_36 = vector.broadcast %add3A_35 : f32 to vector<128x1024xf32>
    %add3A_37 = arith.addf %add3A_36, %erf3A : vector<128x1024xf32>
    %mul3A_38 = arith.mulf %mul3A_31, %add3A_37 : vector<128x1024xf32>
    %get3A_39 = arith.constant 0 : index
    %get3A_40 = arith.constant 0 : index
    %get3A_41 = arith.constant 0 : index
    %get3A_42 = vector.load %arg6[%get3A_39, %get3A_40, %get3A_41] : memref<1x1x1024xf32, #tpu.memory_space<vmem>>, vector<1x1x1024xf32>
    %get3A_43 = vector.shape_cast %get3A_42 : vector<1x1x1024xf32> to vector<1x1024xf32>
    %dot_general3A_44 = arith.constant dense<0.000000e+00> : vector<1x128xf32>
    %dot_general3A_45 = tpu.matmul %get3A_43, %mul3A_38, %dot_general3A_44 {dimension_numbers = #tpu.dot_dimension_numbers<[1], [1], [0], [0], [0, 0, 1, 0], [], []>, transpose_lhs_hint = false} : vector<1x1024xf32>, vector<128x1024xf32>, vector<1x128xf32> -> vector<1x128xf32>
    %eq3A = arith.constant 0 : i32
    %eq3A_46 = arith.cmpi eq, %arg0, %eq3A : i32
    %get3A_47 = arith.constant 0 : index
    %get3A_48 = arith.constant 0 : index
    %get3A_49 = arith.constant 0 : index
    %get3A_50 = vector.load %arg9[%get3A_47, %get3A_48, %get3A_49] : memref<1x1x1xf32, #tpu.memory_space<vmem>>, vector<1x1x1xf32>
    %get3A_51 = vector.shape_cast %get3A_50 : vector<1x1x1xf32> to vector<1x1xf32>
    %jit3A = arith.constant 0.000000e+00 : f32
    %broadcast_in_dim3A = vector.broadcast %jit3A : f32 to vector<1x1xf32>
    %select_n3A = arith.select %eq3A_46, %get3A_51, %broadcast_in_dim3A : vector<1x1xf32>
    %add3A_52 = vector.broadcast %select_n3A : vector<1x1xf32> to vector<1x128xf32>
    %add3A_53 = arith.addf %dot_general3A_45, %add3A_52 : vector<1x128xf32>
    %broadcast_in_dim3A_54 = vector.shape_cast %add3A_53 : vector<1x128xf32> to vector<1x1x128xf32>
    %swap3A = arith.constant 0 : index
    %swap3A_55 = arith.constant 0 : index
    %swap3A_56 = arith.constant 0 : index
    %swap3A_57 = vector.load %arg10[%swap3A, %swap3A_55, %swap3A_56] : memref<1x1x128xf32, #tpu.memory_space<vmem>>, vector<1x1x128xf32>
    tpu.vector_store %arg10[%swap3A, %swap3A_55, %swap3A_56], %broadcast_in_dim3A_54 {strides = array<i32>} : memref<1x1x128xf32, #tpu.memory_space<vmem>>, vector<1x1x128xf32>,
    return
  }
  func.func @transform_0(%arg0: i32, %arg1: i32, %arg2: memref<24xi32, #tpu.memory_space<smem>>) -> (i32, i32, i32) {
    %c0_i32 = arith.constant 0 : i32
    %c0_i32_0 = arith.constant 0 : i32
    %c0_i32_1 = arith.constant 0 : i32
    return %arg1, %c0_i32, %c0_i32_0 : i32, i32, i32
  }
  func.func @transform_1(%arg0: i32, %arg1: i32, %arg2: memref<24xi32, #tpu.memory_space<smem>>) -> (i32, i32, i32) {
    %get3A = arith.index_cast %arg1 : i32 to index
    %get3A_0 = memref.load %arg2[%get3A] : memref<24xi32, #tpu.memory_space<smem>>
    %c0_i32 = arith.constant 0 : i32
    %c0_i32_1 = arith.constant 0 : i32
    return %get3A_0, %arg0, %c0_i32 : i32, i32, i32
  }
  func.func @transform_2(%arg0: i32, %arg1: i32, %arg2: memref<24xi32, #tpu.memory_space<smem>>) -> (i32, i32, i32) {
    %get3A = arith.index_cast %arg1 : i32 to index
    %get3A_0 = memref.load %arg2[%get3A] : memref<24xi32, #tpu.memory_space<smem>>
    %mul3A = arith.constant 4 : i32
    %mul3A_1 = arith.muli %get3A_0, %mul3A : i32
    %add3A = arith.addi %mul3A_1, %arg0 : i32
    %c0_i32 = arith.constant 0 : i32
    %c0_i32_2 = arith.constant 0 : i32
    %c0_i32_3 = arith.constant 0 : i32
    return %add3A, %c0_i32, %c0_i32_2 : i32, i32, i32
  }
  func.func @transform_3(%arg0: i32, %arg1: i32, %arg2: memref<24xi32, #tpu.memory_space<smem>>) -> (i32, i32, i32) {
    %get3A = arith.index_cast %arg1 : i32 to index
    %get3A_0 = memref.load %arg2[%get3A] : memref<24xi32, #tpu.memory_space<smem>>
    %mul3A = arith.constant 4 : i32
    %mul3A_1 = arith.muli %get3A_0, %mul3A : i32
    %add3A = arith.addi %mul3A_1, %arg0 : i32
    %c0_i32 = arith.constant 0 : i32
    %c0_i32_2 = arith.constant 0 : i32
    %c0_i32_3 = arith.constant 0 : i32
    return %add3A, %c0_i32, %c0_i32_2 : i32, i32, i32
  }
  func.func @transform_4(%arg0: i32, %arg1: i32, %arg2: memref<24xi32, #tpu.memory_space<smem>>) -> (i32, i32, i32) {
    %get3A = arith.index_cast %arg1 : i32 to index
    %get3A_0 = memref.load %arg2[%get3A] : memref<24xi32, #tpu.memory_space<smem>>
    %c0_i32 = arith.constant 0 : i32
    %c0_i32_1 = arith.constant 0 : i32
    %c0_i32_2 = arith.constant 0 : i32
    return %get3A_0, %c0_i32, %c0_i32_1 : i32, i32, i32
  }
  func.func @transform_5(%arg0: i32, %arg1: i32, %arg2: memref<24xi32, #tpu.memory_space<smem>>) -> (i32, i32, i32) {
    %get3A = arith.index_cast %arg1 : i32 to index
    %get3A_0 = memref.load %arg2[%get3A] : memref<24xi32, #tpu.memory_space<smem>>
    %c0_i32 = arith.constant 0 : i32
    %c0_i32_1 = arith.constant 0 : i32
    %c0_i32_2 = arith.constant 0 : i32
    return %get3A_0, %c0_i32, %c0_i32_1 : i32, i32, i32
  }
  func.func @transform_6(%arg0: i32, %arg1: i32, %arg2: memref<24xi32, #tpu.memory_space<smem>>) -> (i32, i32, i32) {
    %get3A = arith.index_cast %arg1 : i32 to index
    %get3A_0 = memref.load %arg2[%get3A] : memref<24xi32, #tpu.memory_space<smem>>
    %c0_i32 = arith.constant 0 : i32
    %c0_i32_1 = arith.constant 0 : i32
    %c0_i32_2 = arith.constant 0 : i32
    return %get3A_0, %c0_i32, %c0_i32_1 : i32, i32, i32
  }
  func.func @transform_7(%arg0: i32, %arg1: i32, %arg2: memref<24xi32, #tpu.memory_space<smem>>) -> (i32, i32, i32) {
    %mul3A = arith.constant 24 : i32
    %mul3A_0 = arith.muli %arg0, %mul3A : i32
    %add3A = arith.addi %mul3A_0, %arg1 : i32
    %c0_i32 = arith.constant 0 : i32
    %c0_i32_1 = arith.constant 0 : i32
    %c0_i32_2 = arith.constant 0 : i32
    return %add3A, %c0_i32, %c0_i32_1 : i32, i32, i32
  }
}

</mosaic_0001>

<sc_bundles>
// kernel: kernel.6.cloned.1.call-start
scs
__scs_entry_jumppad:
0x0: {  	(pc) =	sbr.rel $0x88, $3  }
0x1: {  	(tag) =	ssettag $0x0;
	lr =	simm.s32 $0x1  }
0x2: {  	[smem:$0x3F98] =	sst lr;
	_ =	strace $0xD0000000  }
0x3: {  	_ = 	snop  }
0x4: {  	_ = 	snop  }
0x5: {  	_ = 	snop  }
0x6: {  	_ = 	snop  }
0x7: {  	_ = 	snop  }
__scs_overlays_trampoline_lowered:
0x8: {  	[smem:$0x3FA7] =	sst s0  }
0x9: {  	[smem:$0x3FA8] =	sst s1  }
0xa: {  	[smem:$0x3FA9] =	sst s2  }
0xb: {  	[smem:$0x3FAA] =	sst s3  }
0xc: {  	[smem:$0x3FAB] =	sst s4  }
0xd: {  	[smem:$0x3FAC] =	sst s5  }
0xe: {  	[smem:$0x3FAD] =	sst s6  }
0xf: {  	[smem:$0x3FAE] =	sst s7  }
0x10: {  	[smem:$0x3FAF] =	sst s8  }
0x11: {  	[smem:$0x3FB0] =	sst s9;
	s0 =	simm.s32 @!p0 $0x0  }
0x12: {  	s1 =	sld [smem:$0x3F96];
	s0 =	simm.s32 @p0 $0x1  }
0x13: {  	[smem:$0x3FB1] =	sst s0;
	s0 =	simm.s32 @!p1 $0x0  }
0x14: {  	s2 =	sld [smem:$0x3F95];
	s0 =	simm.s32 @p1 $0x1  }
0x15: {  	[smem:$0x3FB2] =	sst s0;
	s0 =	simm.s32 @!p2 $0x0  }
0x16: {  	s3 =	sld [smem:$0x3FDB];
	s0 =	simm.s32 @p2 $0x1  }
0x17: {  	s4 =	simm.s32 $0x1BF5;
	[smem:$0x3FB4] =	sst s0  }
0x18: {  	s0 =	sld [smem:$0x3F97];
	_ =	swait.ge [sflag:s4], $0x0  }
0x19: {  	s7 =	sld [smem:$0x3F98]  }
0x1a: {  	s8 =	sadd.s32 $0xFFFFE003, lr  }
0x1b: {  	s9 =	sadd.s32 $0xFFFFFEF7, lr;
	s5 =	simm.s32 $0xFFFFFFFF;
	p2 =	slt.u32 s8, $0xFFFFF086  }
0x1c: {  	p1 =	slt.u32 s9, $0xF7A;
	s5 =	simm.s32 @!p2 $0x0  }
0x1d: {  	s5 =	simm.s32 @p1 $0x1;
	p0 =	seq.s32 s7, s2  }
0x1e: {  	s7 =	smul.u32 @!p0 $0xF7A, s2;
	p2 =	seq.s32 @!p0 s5, $0x0  }
0x1f: {  	s9 =	smul.u32 $0xF7A, s1;
	s8 =	simm.s32 @!p0 $0x1BF5;
	p2 =	por !p2, p0  }
0x20: {  	[sflag:s8] =	ssyncset.s32 @!p0 $0xFFFFF086;
	s6 =	sadd.s32 @!p0 s3, s7;
	s7 =	simm.s32 @!p0 $0x108  }
0x21: {  	s3 =	sadd.s32 s3, s9;
	s6 =	sadd.s32 @!p0 $0x88, s6;
	s7 =	simm.s32 @p2 $0x1082  }
0x22: {  	[simem:s7], [sflag:s8] =	dma.local @!p0 [hbm:s6], $0xF7A  }
0x23: {  	s9 =	sor.u32 $0xD0000000, s2;
	s6 =	simm.s32 $0x108;
	_ =	swait.ge @!p0 [sflag:s8], $0x0  }
0x24: {  	s3 =	sadd.s32 $0x88, s3;
	s6 =	simm.s32 @!p1 $0x1082;
	[sflag:s4] =	ssyncset.s32 $0xFFFFF086  }
0x25: {  	[simem:s6], [sflag:s4] =	dma.local [hbm:s3], $0xF7A  }
0x26: {  	[smem:$0x3F98] =	sst s1;
	(tag) =	ssettag s2;
	_ =	strace s9  }
0x27: {  	s1 =	sld [smem:$0x3FA8]  }
0x28: {  	s2 =	sld [smem:$0x3FA9]  }
0x29: {  	s4 =	sld [smem:$0x3FAB]  }
0x2a: {  	p0 =	seq.s32 s5, $0x0;
	s5 =	sld [smem:$0x3FAC]  }
0x2b: {  	s6 =	sld [smem:$0x3FAD]  }
0x2c: {  	s7 =	sld [smem:$0x3FAE]  }
0x2d: {  	s3 =	simm.s32 $0x108;
	s8 =	sld [smem:$0x3FAF]  }
0x2e: {  	s3 =	simm.s32 @!p0 $0x1082;
	s9 =	sld [smem:$0x3FB0]  }
0x2f: {  	lr =	sadd.s32 s0, s3;
	s0 =	sld [smem:$0x3FA7]  }
0x30: {  	s3 =	sld [smem:$0x3FAA]  }
0x31: {  	[smem:$0x3FB3] =	sst s10  }
0x32: {  	s10 =	sld [smem:$0x3FB1];
	_ =	sdelay $0x3  }
0x33: {  	p0 =	seq.s32 s10, $0x1;
	s10 =	sld [smem:$0x3FB3];
	_ =	sdelay $0x3  }
0x34: {  	[smem:$0x3FB3] =	sst s10  }
0x35: {  	s10 =	sld [smem:$0x3FB2];
	_ =	sdelay $0x3  }
0x36: {  	p1 =	seq.s32 s10, $0x1;
	s10 =	sld [smem:$0x3FB3];
	_ =	sdelay $0x3  }
0x37: {  	[smem:$0x3FB3] =	sst s10  }
0x38: {  	s10 =	sld [smem:$0x3FB4]  }
0x39: {  	_ = 	snop;
	(pc) =	sbr.ind lr, $3  }
0x3a: {  	_ = 	snop  }
0x3b: {  	_ = 	snop  }
0x3c: {  	p2 =	seq.s32 s10, $0x1;
	s10 =	sld [smem:$0x3FB3]  }
0x3d: {  	_ =	shalt  }
0x3e: {  	_ =	shalt  }
0x3f: {  	_ =	shalt  }
0x40: {  	_ =	shalt  }
0x41: {  	_ =	shalt  }
0x42: {  	_ =	shalt  }
0x43: {  	_ =	shalt  }
0x44: {  	_ =	shalt  }
0x45: {  	_ =	shalt  }
0x46: {  	_ =	shalt  }
0x47: {  	_ =	shalt  }
0x48: {  	_ =	shalt  }
0x49: {  	_ =	shalt  }
0x4a: {  	_ =	shalt  }
0x4b: {  	_ =	shalt  }
0x4c: {  	_ =	shalt  }
0x4d: {  	_ =	shalt  }
0x4e: {  	_ =	shalt  }
0x4f: {  	_ =	shalt  }
0x50: {  	_ =	shalt  }
0x51: {  	_ =	shalt  }
0x52: {  	_ =	shalt  }
0x53: {  	_ =	shalt  }
0x54: {  	_ =	shalt  }
0x55: {  	_ =	shalt  }
0x56: {  	_ =	shalt  }
0x57: {  	_ =	shalt  }
0x58: {  	_ =	shalt  }
0x59: {  	_ =	shalt  }
0x5a: {  	_ =	shalt  }
0x5b: {  	_ =	shalt  }
0x5c: {  	_ =	shalt  }
0x5d: {  	_ =	shalt  }
0x5e: {  	_ =	shalt  }
0x5f: {  	_ =	shalt  }
0x60: {  	_ =	shalt  }
0x61: {  	_ =	shalt  }
0x62: {  	_ =	shalt  }
0x63: {  	_ =	shalt  }
0x64: {  	_ =	shalt  }
0x65: {  	_ =	shalt  }
0x66: {  	_ =	shalt  }
0x67: {  	_ =	shalt  }
0x68: {  	_ =	shalt  }
0x69: {  	_ =	shalt  }
0x6a: {  	_ =	shalt  }
0x6b: {  	_ =	shalt  }
0x6c: {  	_ =	shalt  }
0x6d: {  	_ =	shalt  }
0x6e: {  	_ =	shalt  }
0x6f: {  	_ =	shalt  }
0x70: {  	_ =	shalt  }
0x71: {  	_ =	shalt  }
0x72: {  	_ =	shalt  }
0x73: {  	_ =	shalt  }
0x74: {  	_ =	shalt  }
0x75: {  	_ =	shalt  }
0x76: {  	_ =	shalt  }
0x77: {  	_ =	shalt  }
0x78: {  	_ =	shalt  }
0x79: {  	_ =	shalt  }
0x7a: {  	_ =	shalt  }
0x7b: {  	_ =	shalt  }
0x7c: {  	_ =	shalt  }
0x7d: {  	_ =	shalt  }
0x7e: {  	_ =	shalt  }
0x7f: {  	_ =	shalt  }
0x80: {  	_ =	shalt  }
0x81: {  	_ =	shalt  }
0x82: {  	_ =	shalt  }
0x83: {  	_ =	shalt  }
0x84: {  	_ =	shalt  }
0x85: {  	_ =	shalt  }
0x86: {  	_ =	shalt  }
0x87: {  	_ =	shalt  }
.Lfunc_end0:
.L_simem_size_0:
called_computation_lowered:
.L_overlay_start_0:
0x88: {  	s2 =	sld [smem:$0x3FD9]  }
0x89: {  	s3 =	sld [smem:$0x3FFE];
	_ =	sdelay $0x1  }
0x8a: {  	s1 =	srdreg.scid  }
0x8b: {  	s0 =	sand.u32 $0x1, s1  }
0x8c: {  	s16 =	sshll.u32 s0, $0xA;
	s2 =	sadd.s32 s3, s2  }
0x8d: {  	s2 =	sadd.s32 s2, s16  }
0x8e: {  	[smem:$0x3FBF] =	sst s2  }
0x8f: {  	_ = 	snop  }
0x90: {  	(tm) =	ssettm $0x1  }
0x91: {  	s17 =	sld [smem:$0x3FFB];
	_ =	sdelay $0x3  }
0x92: {  	_ =	strace s17  }
0x93: {  	s2 =	sld [smem:$0x3FFC];
	_ =	sdelay $0x3  }
0x94: {  	_ =	strace s2  }
0x95: {  	s2 =	sld [smem:$0x3FFD];
	_ =	sdelay $0x3  }
0x96: {  	_ =	strace s2  }
0x97: {  	_ =	strace $0x8FFFFFFF  }
0x98: {  	s18 =	sld [smem:$0x3FDB];
	_ =	sdelay $0x1  }
0x99: {  	s19 =	simm.s32 $_scs_section_size  }
0x9a: {  	s4 =	simm.s32 $_size__tile_overlayer_lowered;
	s5 =	simm.s32 $_tile_overlayer_lowered  }
0x9b: {  	s22 =	simm.s32 $0x1BFF;
	s21 =	sshll.u32 s5, $0x1;
	s2 =	sadd.s32 s19, s18  }
0x9c: {  	s6 =	simm.s32 $0x0;
	s20 =	sshll.u32 s4, $0x1;
	s4 =	sadd.s32 s21, s2  }
0x9d: {  	[timem:s6], [sflag:s22] =	dma.local [hbm:s4], s20  }
0x9e: {  	_ =	swait.ge [sflag:s22], s20  }
0x9f: {  	s3 =	ssub.s32 $0x0, s20;
	[sflag:s22] =	ssyncset.done $0x0  }
0xa0: {  	[sflag:s22] =	ssyncadd.s32 s3;
	_ =	sdelay $0x1  }
0xa1: {  	s23 =	simm.s32 $0x1B8B  }
0xa2: {  	_ =	swait.ge [sflag:s23], $0x1  }
0xa3: {  	[sflag:s23] =	ssyncset.done $0x0  }
0xa4: {  	s25 =	simm.s32 $0x1B8E;
	s24 =	sld [smem:$0x3FFE];
	[sflag:s23] =	ssyncadd.s32 $0xFFFFFFFF  }
0xa5: {  	s26 =	simm.s32 $execute0_lowered;
	[smem:$0x3FD2] =	sst s25  }
0xa6: {  	s4 =	sshll.u32 s26, $0x1;
	_ =	strace $0x80000046;
	[dreg:$0x1] =	wrdreg $0xFFFFFFFF  }
0xa7: {  	s28 =	simm.s32 $_size_execute0_lowered;
	s2 =	sadd.s32 s2, s4;
	[dreg:$0x0] =	wrdreg $0x0  }
0xa8: {  	s4 =	sshll.u32 s28, $0x1;
	[dreg:$0x2] =	wrdreg s2  }
0xa9: {  	[dreg:$0x3] =	wrdreg s4  }
0xaa: {  	[dreg:$0x4] =	wrdreg $0xC0  }
0xab: {  	_ =	task [dreg:s6], $0x5FFFF  }
0xac: {  	[dreg:$0x1] =	wrdreg $0xFFFFFFFF  }
0xad: {  	[dreg:$0x0] =	wrdreg $0x60  }
0xae: {  	[dreg:$0x2] =	wrdreg s24  }
0xaf: {  	[dreg:$0x3] =	wrdreg $0x9  }
0xb0: {  	_ =	task.clear_ibuf [dreg:s6], $0x4FFFF;
	_ =	strace $0x90000046  }
0xb1: {  	s29 =	simm.s32 $0x9;
	_ =	strace $0x80000048  }
0xb2: {  	_ =	swait.ge [sflag:s29], $0x1  }
0xb3: {  	[sflag:s29] =	ssyncadd.s32 $0xFFFFFFFF  }
0xb4: {  	_ =	strace $0x90000048  }
0xb5: {  	_ =	sfence  }
0xb6: {  	s30 =	sld [smem:$0x0];
	_ =	sdelay $0x2  }
0xb7: {  	s31 =	sshll.u32 s1, $0xD;
	s1 =	sshrl.u32 s1, $0x2  }
0xb8: {  	s3 =	sand.u32 $0x4000, s31;
	s1 =	sadd.s32 s1, s30  }
0xb9: {  	s0 =	sor.u32 s3, s0;
	s1 =	sshll.u32 s1, $0x11  }
0xba: {  	s0 =	sor.u32 s1, s0  }
0xbb: {  	s0 =	sadd.s32 $0x8F2B, s0  }
0xbc: {  	[sflag:s0] =	ssyncadd.remote.s32 $0x1  }
0xbd: {  	_ =	sfence.sel $0xFFFF  }
0xbe: {  	[dreg:$0x0] =	wrdreg $0xFFFFFFFF;
	(pc) =	sbr.abs _section_cstart, $3  }
0xbf: {  	[dreg:$0x1] =	wrdreg $0xFFFFFFFF  }
0xc0: {  	_ =	task.clear_ibuf [dreg:s6], $0x2FFFF;
	_ =	strace $0x9FFFFFFF  }
0xc1: {  	(tm) =	ssettm $0x7FFFFFFF  }
tec
execute0_lowered:
.L_overlay_start_1:
0x0: {  	(tag) =	ssettag $0x1  }
0x1: {  	s1 =	srdreg.scid;
	s0 =	stileid.u32  }
0x2: {  	s6 =	rddreg [dreg:$0x0];
	s19 =	simm.s32 $0x880;
	s20 =	simm.s32 $0x1080  }
0x3: {  	s21 =	simm.s32 $0x1880;
	s22 =	simm.s32 $0x2080;
	s23 =	simm.s32 $0x2880  }
0x4: {  	s7 =	simm.s32 $0x3080;
	s24 =	simm.s32 $0x3880;
	s8 =	simm.s32 $0x4080  }
0x5: {  	s25 =	simm.s32 $0x4880;
	s26 =	simm.s32 $0x5080;
	s1 =	sand.u32 $0x1, s1  }
0x6: {  	s9 =	simm.s32 $0x80;
	s2 =	sshll.u32 s0, $0x7;
	s3 =	sshll.u32 s1, $0x6  }
0x7: {  	s11 =	simm.s32 $0x6080;
	s3 =	sor.u32 s3, s2;
	s2 =	simm.s32 $0x0  }
0x8: {  	s12 =	simm.s32 $0x6880;
	s13 =	simm.s32 $0x7080;
	[smem:$0x7FF] =	sst s2  }
0x9: {  	s14 =	simm.s32 $0x7880;
	_ =	strace $0x80000047;
	[dreg:$0x4] =	wrdreg s19  }
0xa: {  	s15 =	simm.s32 $0x8080;
	s16 =	simm.s32 $0x8880;
	[dreg:$0x5] =	wrdreg s20  }
0xb: {  	s17 =	simm.s32 $0x9080;
	s18 =	simm.s32 $0x9880;
	[dreg:$0x6] =	wrdreg s21  }
0xc: {  	s28 =	simm.s32 $0xE080;
	s29 =	simm.s32 $0xE880;
	[dreg:$0x7] =	wrdreg s22  }
0xd: {  	s30 =	simm.s32 $0xF080;
	s1 =	ssub.s32 $0x2, s1;
	[dreg:$0x8] =	wrdreg s23  }
0xe: {  	s31 =	simm.s32 $0xF880;
	s5 =	sshrl.u32 s1, $0x1;
	[dreg:$0x9] =	wrdreg s7  }
0xf: {  	s4 =	sshrl.u32 s3, $0x3;
	s3 =	sshll.u32 s3, $0x7;
	[dreg:$0xa] =	wrdreg s24  }
0x10: {  	s1 =	ssub.s32 s1, s5;
	s5 =	sadd.s32 $0x40400, s6;
	[dreg:$0xb] =	wrdreg s8  }
0x11: {  	s4 =	sadd.s32 s4, s6;
	s3 =	sadd.s32 s6, s3;
	[dreg:$0xc] =	wrdreg s25  }
0x12: {  	s7 =	smax.u32 s1, $0x1;
	s8 =	simm.s32 $0x2;
	[dreg:$0xd] =	wrdreg s26  }
0x13: {  	s19 =	simm.s32 $0xA080;
	s20 =	simm.s32 $0xA880;
	s21 =	simm.s32 $0xB080  }
0x14: {  	s22 =	simm.s32 $0xB880;
	s23 =	simm.s32 $0xC080;
	s24 =	simm.s32 $0xC880  }
0x15: {  	v2 =	vlaneseq.u32;
	s25 =	simm.s32 $0xD080;
	s26 =	simm.s32 $0xD880;
	s1 =	simm.s32 $0x1  }
0x16: {  	vm0 =	vmmov $0xffff;
	v1 =	vshrl.u32 v2, $0x3;
	s4 =	sadd.s32 $0x40000, s4;
	[dreg:$0x3] =	wrdreg s3;
	s3 =	sadd.s32 $0x40200, s6  }
0x17: {  	v0 =	vand.u32 $0x7, v2;
	v2 =	vor.u32 $0x8, v2;
	v1 =	vmul.u32 $0x8, v1;
	[dreg:$0x2] =	wrdreg s4;
	s4 =	sadd.s32 $0x40300, s6;
	s6 =	sadd.s32 $0x40500, s6  }
.LBB2_1:
0x18: {  	s0 =	rddreg [dreg:$0x2]  }
0x19: {  	[tilespmem:s2], [sflag:$0x2] =	stream.linear.gather [hbm4b:s0+s2], $0x40, $0x38;
	[tilespmem:$0x10080] =	vst v63  }
0x1a: {  	_ =	swait.ge [sflag:s8], $0x40  }
0x1b: {  	[sflag:s8] =	ssyncset.done $0x0  }
0x1c: {  	s10 =	rddreg [dreg:$0x3];
	[sflag:s8] =	ssyncadd.s32 $0xFFFFFFC0  }
0x1d: {  	[tilespmem:s9], [sflag:$0x2] =	stream.linear.gather [hbm4b:s10+s2], $0x10000, $0x38;
	[tilespmem:$0x10080] =	vst v63  }
0x1e: {  	_ =	swait.ge [sflag:s8], $0x10000  }
0x1f: {  	[sflag:s8] =	ssyncset.done $0x0  }
0x20: {  	[sflag:s8] =	ssyncadd.s32 $0xFFFF0000  }
0x21: {  	v3 =	vld [tilespmem:$0x0];
	_ =	sdelay $0x4  }
0x22: {  	v4 =	vshll.u32 v3, $0x3  }
0x23: {  	v3 =	vand.u32 $0x7, v3;
	v4 =	vand.u32 $0xFFFFFFC0, v4  }
0x24: {  	v3 =	vor.u32 v3, v4  }
0x25: {  	v4 =	vperm.xlane v3, v0;
	_ =	sdelay $0x1  }
0x26: {  	v4 =	vadd.s32 v1, v4;
	_ =	sdelay $0x4  }
0x27: {  	[hbm4b:s3+s2] =	stream.indirect_vreg.scatter [tilespmem:s9], [sflag:$0x1], $0x80, v4, vm0, $0xb8;
	[tilespmem:$0x10080] =	vst v63  }
0x28: {  	s0 =	rddreg [dreg:$0x4];
	v3 =	vperm.xlane v3, v2  }
0x29: {  	[hbm4b:s4+s2] =	stream.indirect_vreg.scatter [tilespmem:s0], [sflag:$0x1], $0x80, v4, vm0, $0xb8;
	[tilespmem:$0x10080] =	vst v63  }
0x2a: {  	s10 =	rddreg [dreg:$0x5];
	v3 =	vadd.s32 v1, v3  }
0x2b: {  	[hbm4b:s5+s2] =	stream.indirect_vreg.scatter [tilespmem:s10], [sflag:$0x1], $0x80, v4, vm0, $0xb8;
	[tilespmem:$0x10080] =	vst v63  }
0x2c: {  	s0 =	rddreg [dreg:$0x6]  }
0x2d: {  	[hbm4b:s6+s2] =	stream.indirect_vreg.scatter [tilespmem:s0], [sflag:$0x1], $0x80, v4, vm0, $0xb8;
	[tilespmem:$0x10080] =	vst v63  }
0x2e: {  	s10 =	rddreg [dreg:$0x7]  }
0x2f: {  	[hbm4b:s3+s2] =	stream.indirect_vreg.scatter [tilespmem:s10], [sflag:$0x1], $0x80, v3, vm0, $0xb8;
	[tilespmem:$0x10080] =	vst v63  }
0x30: {  	s0 =	rddreg [dreg:$0x8]  }
0x31: {  	[hbm4b:s4+s2] =	stream.indirect_vreg.scatter [tilespmem:s0], [sflag:$0x1], $0x80, v3, vm0, $0xb8;
	[tilespmem:$0x10080] =	vst v63  }
0x32: {  	s10 =	rddreg [dreg:$0x9]  }
0x33: {  	[hbm4b:s5+s2] =	stream.indirect_vreg.scatter [tilespmem:s10], [sflag:$0x1], $0x80, v3, vm0, $0xb8;
	[tilespmem:$0x10080] =	vst v63  }
0x34: {  	s0 =	rddreg [dreg:$0xa]  }
0x35: {  	[hbm4b:s6+s2] =	stream.indirect_vreg.scatter [tilespmem:s0], [sflag:$0x1], $0x80, v3, vm0, $0xb8;
	[tilespmem:$0x10080] =	vst v63  }
0x36: {  	v3 =	vld [tilespmem:$0x10];
	_ =	sdelay $0x4  }
0x37: {  	v61 =	vshll.u32 v3, $0x3  }
0x38: {  	v3 =	vand.u32 $0x7, v3;
	v4 =	vand.u32 $0xFFFFFFC0, v61  }
0x39: {  	v3 =	vor.u32 v3, v4  }
0x3a: {  	v4 =	vperm.xlane v3, v0;
	_ =	sdelay $0x1  }
0x3b: {  	v4 =	vadd.s32 v1, v4;
	_ =	sdelay $0x3  }
0x3c: {  	s0 =	rddreg [dreg:$0xb]  }
0x3d: {  	[hbm4b:s3+s2] =	stream.indirect_vreg.scatter [tilespmem:s0], [sflag:$0x1], $0x80, v4, vm0, $0xb8;
	[tilespmem:$0x10080] =	vst v63  }
0x3e: {  	s10 =	rddreg [dreg:$0xc];
	v3 =	vperm.xlane v3, v2  }
0x3f: {  	[hbm4b:s4+s2] =	stream.indirect_vreg.scatter [tilespmem:s10], [sflag:$0x1], $0x80, v4, vm0, $0xb8;
	[tilespmem:$0x10080] =	vst v63  }
0x40: {  	v3 =	vadd.s32 v1, v3;
	s0 =	rddreg [dreg:$0xd]  }
0x41: {  	[hbm4b:s5+s2] =	stream.indirect_vreg.scatter [tilespmem:s0], [sflag:$0x1], $0x80, v4, vm0, $0xb8;
	[tilespmem:$0x10080] =	vst v63  }
0x42: {  	s10 =	simm.s32 $0x5880  }
0x43: {  	[hbm4b:s6+s2] =	stream.indirect_vreg.scatter [tilespmem:s10], [sflag:$0x1], $0x80, v4, vm0, $0xb8;
	[tilespmem:$0x10080] =	vst v63  }
0x44: {  	_ = 	snop  }
0x45: {  	[hbm4b:s3+s2] =	stream.indirect_vreg.scatter [tilespmem:s11], [sflag:$0x1], $0x80, v3, vm0, $0xb8;
	[tilespmem:$0x10080] =	vst v63  }
0x46: {  	_ = 	snop  }
0x47: {  	[hbm4b:s4+s2] =	stream.indirect_vreg.scatter [tilespmem:s12], [sflag:$0x1], $0x80, v3, vm0, $0xb8;
	[tilespmem:$0x10080] =	vst v63  }
0x48: {  	_ = 	snop  }
0x49: {  	[hbm4b:s5+s2] =	stream.indirect_vreg.scatter [tilespmem:s13], [sflag:$0x1], $0x80, v3, vm0, $0xb8;
	[tilespmem:$0x10080] =	vst v63  }
0x4a: {  	_ = 	snop  }
0x4b: {  	[hbm4b:s6+s2] =	stream.indirect_vreg.scatter [tilespmem:s14], [sflag:$0x1], $0x80, v3, vm0, $0xb8;
	[tilespmem:$0x10080] =	vst v63  }
0x4c: {  	v3 =	vld [tilespmem:$0x20];
	_ =	sdelay $0x4  }
0x4d: {  	v62 =	vshll.u32 v3, $0x3  }
0x4e: {  	v3 =	vand.u32 $0x7, v3;
	v4 =	vand.u32 $0xFFFFFFC0, v62  }
0x4f: {  	v3 =	vor.u32 v3, v4  }
0x50: {  	v4 =	vperm.xlane v3, v0;
	_ =	sdelay $0x1  }
0x51: {  	v4 =	vadd.s32 v1, v4;
	_ =	sdelay $0x4  }
0x52: {  	[hbm4b:s3+s2] =	stream.indirect_vreg.scatter [tilespmem:s15], [sflag:$0x1], $0x80, v4, vm0, $0xb8;
	[tilespmem:$0x10080] =	vst v63  }
0x53: {  	v3 =	vperm.xlane v3, v2  }
0x54: {  	[hbm4b:s4+s2] =	stream.indirect_vreg.scatter [tilespmem:s16], [sflag:$0x1], $0x80, v4, vm0, $0xb8;
	[tilespmem:$0x10080] =	vst v63  }
0x55: {  	v3 =	vadd.s32 v1, v3  }
0x56: {  	[hbm4b:s5+s2] =	stream.indirect_vreg.scatter [tilespmem:s17], [sflag:$0x1], $0x80, v4, vm0, $0xb8;
	[tilespmem:$0x10080] =	vst v63  }
0x57: {  	_ = 	snop  }
0x58: {  	[hbm4b:s6+s2] =	stream.indirect_vreg.scatter [tilespmem:s18], [sflag:$0x1], $0x80, v4, vm0, $0xb8;
	[tilespmem:$0x10080] =	vst v63  }
0x59: {  	_ = 	snop  }
0x5a: {  	[hbm4b:s3+s2] =	stream.indirect_vreg.scatter [tilespmem:s19], [sflag:$0x1], $0x80, v3, vm0, $0xb8;
	[tilespmem:$0x10080] =	vst v63  }
0x5b: {  	_ = 	snop  }
0x5c: {  	[hbm4b:s4+s2] =	stream.indirect_vreg.scatter [tilespmem:s20], [sflag:$0x1], $0x80, v3, vm0, $0xb8;
	[tilespmem:$0x10080] =	vst v63  }
0x5d: {  	_ = 	snop  }
0x5e: {  	[hbm4b:s5+s2] =	stream.indirect_vreg.scatter [tilespmem:s21], [sflag:$0x1], $0x80, v3, vm0, $0xb8;
	[tilespmem:$0x10080] =	vst v63  }
0x5f: {  	_ = 	snop  }
0x60: {  	[hbm4b:s6+s2] =	stream.indirect_vreg.scatter [tilespmem:s22], [sflag:$0x1], $0x80, v3, vm0, $0xb8;
	[tilespmem:$0x10080] =	vst v63  }
0x61: {  	v3 =	vld [tilespmem:$0x30];
	_ =	sdelay $0x4  }
0x62: {  	v63 =	vshll.u32 v3, $0x3  }
0x63: {  	v3 =	vand.u32 $0x7, v3;
	v4 =	vand.u32 $0xFFFFFFC0, v63  }
0x64: {  	v3 =	vor.u32 v3, v4  }
0x65: {  	v4 =	vperm.xlane v3, v0;
	_ =	sdelay $0x1  }
0x66: {  	v4 =	vadd.s32 v1, v4;
	_ =	sdelay $0x4  }
0x67: {  	[hbm4b:s3+s2] =	stream.indirect_vreg.scatter [tilespmem:s23], [sflag:$0x1], $0x80, v4, vm0, $0xb8;
	[tilespmem:$0x10080] =	vst v63  }
0x68: {  	v3 =	vperm.xlane v3, v2  }
0x69: {  	[hbm4b:s4+s2] =	stream.indirect_vreg.scatter [tilespmem:s24], [sflag:$0x1], $0x80, v4, vm0, $0xb8;
	[tilespmem:$0x10080] =	vst v63  }
0x6a: {  	v3 =	vadd.s32 v1, v3  }
0x6b: {  	[hbm4b:s5+s2] =	stream.indirect_vreg.scatter [tilespmem:s25], [sflag:$0x1], $0x80, v4, vm0, $0xb8;
	[tilespmem:$0x10080] =	vst v63  }
0x6c: {  	_ = 	snop  }
0x6d: {  	[hbm4b:s6+s2] =	stream.indirect_vreg.scatter [tilespmem:s26], [sflag:$0x1], $0x80, v4, vm0, $0xb8;
	[tilespmem:$0x10080] =	vst v63  }
0x6e: {  	_ = 	snop  }
0x6f: {  	[hbm4b:s3+s2] =	stream.indirect_vreg.scatter [tilespmem:s28], [sflag:$0x1], $0x80, v3, vm0, $0xb8;
	[tilespmem:$0x10080] =	vst v63  }
0x70: {  	_ = 	snop  }
0x71: {  	[hbm4b:s4+s2] =	stream.indirect_vreg.scatter [tilespmem:s29], [sflag:$0x1], $0x80, v3, vm0, $0xb8;
	[tilespmem:$0x10080] =	vst v63  }
0x72: {  	p0 =	sne.s32 s7, $0x1  }
0x73: {  	[hbm4b:s5+s2] =	stream.indirect_vreg.scatter [tilespmem:s30], [sflag:$0x1], $0x80, v3, vm0, $0xb8;
	[tilespmem:$0x10080] =	vst v63  }
.Ltmp0:
0x74: {  	_ = 	snop;
	(pc) =	sbr.rel @p0 .LBB2_1-.Ltmp0, $4  }
0x75: {  	[hbm4b:s6+s2] =	stream.indirect_vreg.scatter [tilespmem:s31], [sflag:$0x1], $0x80, v3, vm0, $0xb8;
	[tilespmem:$0x10080] =	vst v63  }
0x76: {  	_ =	swait.ge [sflag:s1], $0x10000  }
0x77: {  	[sflag:s1] =	ssyncset.done $0x0  }
0x78: {  	s7 =	sadd.s32 $0xFFFFFFFF, s7;
	[sflag:s1] =	ssyncadd.s32 $0xFFFF0000  }
0x79: {  	_ =	sfence.sel $0x180000  }
0x7a: {  	[bflag:$0x0] =	sbarrier.arrive $0xFFFF  }
0x7b: {  	_ =	strace $0x90000047  }
0x7c: {  	s0 =	stileid.u32;
	[bflag:$0x2] =	sbarrier.arrive $0xFFFF  }
0x7d: {  	p0 =	sne.s32 s0, $0x0;
	s0 =	rddreg [dreg:$0x1]  }
0x7e: {  	s0 =	sadd.s32 @!p0 $0x100000, s0  }
0x7f: {  	[sflag:s0] =	ssyncadd.tile.s32 @!p0 $0x1;
	_ =	shalt  }
.Lfunc_end2:
_tile_overlayer_lowered:
.L_overlay_start_2:
0x80: {  	(tag) =	ssettag $0x2  }
0x81: {  	s0 =	rddreg [dreg:$0x0];
	s2 =	stileid.u32  }
0x82: {  	s1 =	rddreg [dreg:$0x1];
	p0 =	sne.s32 s2, $0x0  }
0x83: {  	s3 =	rddreg [dreg:$0x2];
	[bflag:$0x3] =	sbarrier.arrive $0xFFFF;
	s2 =	simm.s32 @!p0 $0x1C02  }
0x84: {  	[timem:s3], [sflag:s2] =	dma.local @!p0 [hbm:s0], s1  }
0x85: {  	s0 =	simm.s32 @!p0 $0x2  }
0x86: {  	_ =	swait.ge @!p0 [sflag:s0], s1  }
0x87: {  	s1 =	ssub.s32 @!p0 $0x0, s1;
	[sflag:s0] =	ssyncset.done @!p0 $0x0  }
0x88: {  	[sflag:s0] =	ssyncadd.s32 @!p0 s1  }
0x89: {  	[bflag:$0x3] =	sbarrier.arrive $0xFFFF  }
0x8a: {  	_ =	shalt  }

// kernel: kernel.9.cloned.1.call-start
scs
__scs_entry_jumppad:
0x0: {  	(pc) =	sbr.rel $0x88, $3  }
0x1: {  	(tag) =	ssettag $0x0;
	lr =	simm.s32 $0x1  }
0x2: {  	[smem:$0x3F98] =	sst lr;
	_ =	strace $0xD0000000  }
0x3: {  	_ = 	snop  }
0x4: {  	_ = 	snop  }
0x5: {  	_ = 	snop  }
0x6: {  	_ = 	snop  }
0x7: {  	_ = 	snop  }
__scs_overlays_trampoline_lowered:
0x8: {  	[smem:$0x3FA7] =	sst s0  }
0x9: {  	[smem:$0x3FA8] =	sst s1  }
0xa: {  	[smem:$0x3FA9] =	sst s2  }
0xb: {  	[smem:$0x3FAA] =	sst s3  }
0xc: {  	[smem:$0x3FAB] =	sst s4  }
0xd: {  	[smem:$0x3FAC] =	sst s5  }
0xe: {  	[smem:$0x3FAD] =	sst s6  }
0xf: {  	[smem:$0x3FAE] =	sst s7  }
0x10: {  	[smem:$0x3FAF] =	sst s8  }
0x11: {  	[smem:$0x3FB0] =	sst s9;
	s0 =	simm.s32 @!p0 $0x0  }
0x12: {  	s1 =	sld [smem:$0x3F96];
	s0 =	simm.s32 @p0 $0x1  }
0x13: {  	[smem:$0x3FB1] =	sst s0;
	s0 =	simm.s32 @!p1 $0x0  }
0x14: {  	s2 =	sld [smem:$0x3F95];
	s0 =	simm.s32 @p1 $0x1  }
0x15: {  	[smem:$0x3FB2] =	sst s0;
	s0 =	simm.s32 @!p2 $0x0  }
0x16: {  	s3 =	sld [smem:$0x3FDB];
	s0 =	simm.s32 @p2 $0x1  }
0x17: {  	s4 =	simm.s32 $0x1BF5;
	[smem:$0x3FB4] =	sst s0  }
0x18: {  	s0 =	sld [smem:$0x3F97];
	_ =	swait.ge [sflag:s4], $0x0  }
0x19: {  	s7 =	sld [smem:$0x3F98]  }
0x1a: {  	s8 =	sadd.s32 $0xFFFFE003, lr  }
0x1b: {  	s9 =	sadd.s32 $0xFFFFFEF7, lr;
	s5 =	simm.s32 $0xFFFFFFFF;
	p2 =	slt.u32 s8, $0xFFFFF086  }
0x1c: {  	p1 =	slt.u32 s9, $0xF7A;
	s5 =	simm.s32 @!p2 $0x0  }
0x1d: {  	s5 =	simm.s32 @p1 $0x1;
	p0 =	seq.s32 s7, s2  }
0x1e: {  	s7 =	smul.u32 @!p0 $0xF7A, s2;
	p2 =	seq.s32 @!p0 s5, $0x0  }
0x1f: {  	s9 =	smul.u32 $0xF7A, s1;
	s8 =	simm.s32 @!p0 $0x1BF5;
	p2 =	por !p2, p0  }
0x20: {  	[sflag:s8] =	ssyncset.s32 @!p0 $0xFFFFF086;
	s6 =	sadd.s32 @!p0 s3, s7;
	s7 =	simm.s32 @!p0 $0x108  }
0x21: {  	s3 =	sadd.s32 s3, s9;
	s6 =	sadd.s32 @!p0 $0x88, s6;
	s7 =	simm.s32 @p2 $0x1082  }
0x22: {  	[simem:s7], [sflag:s8] =	dma.local @!p0 [hbm:s6], $0xF7A  }
0x23: {  	s9 =	sor.u32 $0xD0000000, s2;
	s6 =	simm.s32 $0x108;
	_ =	swait.ge @!p0 [sflag:s8], $0x0  }
0x24: {  	s3 =	sadd.s32 $0x88, s3;
	s6 =	simm.s32 @!p1 $0x1082;
	[sflag:s4] =	ssyncset.s32 $0xFFFFF086  }
0x25: {  	[simem:s6], [sflag:s4] =	dma.local [hbm:s3], $0xF7A  }
0x26: {  	[smem:$0x3F98] =	sst s1;
	(tag) =	ssettag s2;
	_ =	strace s9  }
0x27: {  	s1 =	sld [smem:$0x3FA8]  }
0x28: {  	s2 =	sld [smem:$0x3FA9]  }
0x29: {  	s4 =	sld [smem:$0x3FAB]  }
0x2a: {  	p0 =	seq.s32 s5, $0x0;
	s5 =	sld [smem:$0x3FAC]  }
0x2b: {  	s6 =	sld [smem:$0x3FAD]  }
0x2c: {  	s7 =	sld [smem:$0x3FAE]  }
0x2d: {  	s3 =	simm.s32 $0x108;
	s8 =	sld [smem:$0x3FAF]  }
0x2e: {  	s3 =	simm.s32 @!p0 $0x1082;
	s9 =	sld [smem:$0x3FB0]  }
0x2f: {  	lr =	sadd.s32 s0, s3;
	s0 =	sld [smem:$0x3FA7]  }
0x30: {  	s3 =	sld [smem:$0x3FAA]  }
0x31: {  	[smem:$0x3FB3] =	sst s10  }
0x32: {  	s10 =	sld [smem:$0x3FB1];
	_ =	sdelay $0x3  }
0x33: {  	p0 =	seq.s32 s10, $0x1;
	s10 =	sld [smem:$0x3FB3];
	_ =	sdelay $0x3  }
0x34: {  	[smem:$0x3FB3] =	sst s10  }
0x35: {  	s10 =	sld [smem:$0x3FB2];
	_ =	sdelay $0x3  }
0x36: {  	p1 =	seq.s32 s10, $0x1;
	s10 =	sld [smem:$0x3FB3];
	_ =	sdelay $0x3  }
0x37: {  	[smem:$0x3FB3] =	sst s10  }
0x38: {  	s10 =	sld [smem:$0x3FB4]  }
0x39: {  	_ = 	snop;
	(pc) =	sbr.ind lr, $3  }
0x3a: {  	_ = 	snop  }
0x3b: {  	_ = 	snop  }
0x3c: {  	p2 =	seq.s32 s10, $0x1;
	s10 =	sld [smem:$0x3FB3]  }
0x3d: {  	_ =	shalt  }
0x3e: {  	_ =	shalt  }
0x3f: {  	_ =	shalt  }
0x40: {  	_ =	shalt  }
0x41: {  	_ =	shalt  }
0x42: {  	_ =	shalt  }
0x43: {  	_ =	shalt  }
0x44: {  	_ =	shalt  }
0x45: {  	_ =	shalt  }
0x46: {  	_ =	shalt  }
0x47: {  	_ =	shalt  }
0x48: {  	_ =	shalt  }
0x49: {  	_ =	shalt  }
0x4a: {  	_ =	shalt  }
0x4b: {  	_ =	shalt  }
0x4c: {  	_ =	shalt  }
0x4d: {  	_ =	shalt  }
0x4e: {  	_ =	shalt  }
0x4f: {  	_ =	shalt  }
0x50: {  	_ =	shalt  }
0x51: {  	_ =	shalt  }
0x52: {  	_ =	shalt  }
0x53: {  	_ =	shalt  }
0x54: {  	_ =	shalt  }
0x55: {  	_ =	shalt  }
0x56: {  	_ =	shalt  }
0x57: {  	_ =	shalt  }
0x58: {  	_ =	shalt  }
0x59: {  	_ =	shalt  }
0x5a: {  	_ =	shalt  }
0x5b: {  	_ =	shalt  }
0x5c: {  	_ =	shalt  }
0x5d: {  	_ =	shalt  }
0x5e: {  	_ =	shalt  }
0x5f: {  	_ =	shalt  }
0x60: {  	_ =	shalt  }
0x61: {  	_ =	shalt  }
0x62: {  	_ =	shalt  }
0x63: {  	_ =	shalt  }
0x64: {  	_ =	shalt  }
0x65: {  	_ =	shalt  }
0x66: {  	_ =	shalt  }
0x67: {  	_ =	shalt  }
0x68: {  	_ =	shalt  }
0x69: {  	_ =	shalt  }
0x6a: {  	_ =	shalt  }
0x6b: {  	_ =	shalt  }
0x6c: {  	_ =	shalt  }
0x6d: {  	_ =	shalt  }
0x6e: {  	_ =	shalt  }
0x6f: {  	_ =	shalt  }
0x70: {  	_ =	shalt  }
0x71: {  	_ =	shalt  }
0x72: {  	_ =	shalt  }
0x73: {  	_ =	shalt  }
0x74: {  	_ =	shalt  }
0x75: {  	_ =	shalt  }
0x76: {  	_ =	shalt  }
0x77: {  	_ =	shalt  }
0x78: {  	_ =	shalt  }
0x79: {  	_ =	shalt  }
0x7a: {  	_ =	shalt  }
0x7b: {  	_ =	shalt  }
0x7c: {  	_ =	shalt  }
0x7d: {  	_ =	shalt  }
0x7e: {  	_ =	shalt  }
0x7f: {  	_ =	shalt  }
0x80: {  	_ =	shalt  }
0x81: {  	_ =	shalt  }
0x82: {  	_ =	shalt  }
0x83: {  	_ =	shalt  }
0x84: {  	_ =	shalt  }
0x85: {  	_ =	shalt  }
0x86: {  	_ =	shalt  }
0x87: {  	_ =	shalt  }
.Lfunc_end0:
.L_simem_size_0:
called_computation.1_lowered:
.L_overlay_start_0:
0x88: {  	s2 =	sld [smem:$0x3FD9]  }
0x89: {  	s3 =	sld [smem:$0x3FFE];
	_ =	sdelay $0x1  }
0x8a: {  	s1 =	srdreg.scid  }
0x8b: {  	s0 =	sand.u32 $0x1, s1  }
0x8c: {  	s14 =	sshll.u32 s0, $0xA;
	s2 =	sadd.s32 s3, s2  }
0x8d: {  	s2 =	sadd.s32 s2, s14  }
0x8e: {  	[smem:$0x3FBF] =	sst s2  }
0x8f: {  	_ = 	snop  }
0x90: {  	s2 =	sld [smem:$0x3FD0];
	_ =	sdelay $0x2  }
0x91: {  	s15 =	simm.s32 $0xA;
	s4 =	simm.s32 $0x10  }
0x92: {  	[smem:s4], [sflag:s15] =	dma.local [hbm:s2], $0x1  }
0x93: {  	_ =	swait.eq [sflag:s15], $0x1  }
0x94: {  	[sflag:s15] =	ssyncset.done $0x0  }
0x95: {  	[sflag:s15] =	ssyncadd.s32 $0xFFFFFFFF  }
0x96: {  	s16 =	sld [smem:$0x10];
	(tm) =	ssettm $0x1  }
0x97: {  	s17 =	sld [smem:$0x3FFB];
	_ =	sdelay $0x3  }
0x98: {  	_ =	strace s17  }
0x99: {  	s3 =	sld [smem:$0x3FFC];
	_ =	sdelay $0x3  }
0x9a: {  	_ =	strace s3  }
0x9b: {  	s3 =	sld [smem:$0x3FFD];
	_ =	sdelay $0x3  }
0x9c: {  	_ =	strace s3  }
0x9d: {  	_ =	strace $0x8FFFFFFF  }
0x9e: {  	s18 =	sld [smem:$0x3FDB];
	_ =	sdelay $0x1  }
0x9f: {  	s19 =	simm.s32 $_scs_section_size  }
0xa0: {  	s5 =	simm.s32 $_size__tile_overlayer_lowered;
	s6 =	simm.s32 $_tile_overlayer_lowered  }
0xa1: {  	s22 =	simm.s32 $0x1BFF;
	s21 =	sshll.u32 s6, $0x1;
	s3 =	sadd.s32 s19, s18  }
0xa2: {  	s7 =	simm.s32 $0x0;
	s20 =	sshll.u32 s5, $0x1;
	s5 =	sadd.s32 s21, s3  }
0xa3: {  	[timem:s7], [sflag:s22] =	dma.local [hbm:s5], s20  }
0xa4: {  	_ =	swait.ge [sflag:s22], s20  }
0xa5: {  	s4 =	ssub.s32 $0x0, s20;
	[sflag:s22] =	ssyncset.done $0x0  }
0xa6: {  	[sflag:s22] =	ssyncadd.s32 s4;
	_ =	sdelay $0x1  }
0xa7: {  	s23 =	simm.s32 $0x1B8B  }
0xa8: {  	_ =	swait.ge [sflag:s23], $0x1  }
0xa9: {  	[sflag:s23] =	ssyncset.done $0x0  }
0xaa: {  	s25 =	simm.s32 $0x1B8E;
	s24 =	sld [smem:$0x3FFE];
	[sflag:s23] =	ssyncadd.s32 $0xFFFFFFFF  }
0xab: {  	s26 =	simm.s32 $execute0_lowered;
	[smem:$0x3FD2] =	sst s25  }
0xac: {  	s5 =	sshll.u32 s26, $0x1;
	_ =	strace $0x80000049;
	[dreg:$0x1] =	wrdreg $0xFFFFFFFF  }
0xad: {  	s28 =	simm.s32 $_size_execute0_lowered;
	s3 =	sadd.s32 s3, s5;
	[dreg:$0x0] =	wrdreg $0x0  }
0xae: {  	s5 =	sshll.u32 s28, $0x1;
	[dreg:$0x2] =	wrdreg s3  }
0xaf: {  	[dreg:$0x3] =	wrdreg s5  }
0xb0: {  	[dreg:$0x4] =	wrdreg $0xC0  }
0xb1: {  	_ =	task [dreg:s7], $0x5FFFF  }
0xb2: {  	[dreg:$0x1] =	wrdreg $0xFFFFFFFF  }
0xb3: {  	[dreg:$0x0] =	wrdreg $0x60  }
0xb4: {  	[dreg:$0x2] =	wrdreg s24  }
0xb5: {  	[dreg:$0x3] =	wrdreg s16  }
0xb6: {  	[dreg:$0x4] =	wrdreg $0x9  }
0xb7: {  	_ =	task.clear_ibuf [dreg:s7], $0x5FFFF;
	_ =	strace $0x90000049  }
0xb8: {  	s29 =	simm.s32 $0x9;
	_ =	strace $0x8000004B  }
0xb9: {  	_ =	swait.ge [sflag:s29], $0x1  }
0xba: {  	[sflag:s29] =	ssyncadd.s32 $0xFFFFFFFF  }
0xbb: {  	_ =	strace $0x9000004B  }
0xbc: {  	_ =	sfence  }
0xbd: {  	s30 =	sld [smem:$0x0];
	_ =	sdelay $0x2  }
0xbe: {  	s31 =	sshll.u32 s1, $0xD;
	s1 =	sshrl.u32 s1, $0x2  }
0xbf: {  	s3 =	sand.u32 $0x4000, s31;
	s1 =	sadd.s32 s1, s30  }
0xc0: {  	s0 =	sor.u32 s3, s0;
	s1 =	sshll.u32 s1, $0x11  }
0xc1: {  	s0 =	sor.u32 s1, s0  }
0xc2: {  	s0 =	sadd.s32 $0x8F2B, s0  }
0xc3: {  	[sflag:s0] =	ssyncadd.remote.s32 $0x1  }
0xc4: {  	_ =	sfence.sel $0xFFFF  }
0xc5: {  	[dreg:$0x0] =	wrdreg $0xFFFFFFFF;
	(pc) =	sbr.abs _section_cstart, $3  }
0xc6: {  	[dreg:$0x1] =	wrdreg $0xFFFFFFFF  }
0xc7: {  	_ =	task.clear_ibuf [dreg:s7], $0x2FFFF;
	_ =	strace $0x9FFFFFFF  }
0xc8: {  	(tm) =	ssettm $0x7FFFFFFF  }
0xc9: {  	_ =	shalt  }
tec
execute0_lowered:
.L_overlay_start_1:
0x0: {  	(tag) =	ssettag $0x1  }
0x1: {  	s1 =	srdreg.scid;
	s2 =	rddreg [dreg:$0x0]  }
0x2: {  	s0 =	stileid.u32;
	s9 =	rddreg [dreg:$0x1];
	s6 =	sand.u32 $0x1, s1  }
0x3: {  	s3 =	simm.s32 $0x0;
	s4 =	sshll.u32 s0, $0x4;
	s5 =	sshll.u32 s6, $0x3  }
0x4: {  	[smem:$0x7FF] =	sst s3;
	s10 =	sor.u32 s5, s4  }
0x5: {  	s1 =	rddreg [dreg:$0x2];
	_ =	strace $0x8000004A;
	s4 =	sadd.s32 s10, s2  }
0x6: {  	s11 =	ssub.s32 $0x2, s6;
	s5 =	sadd.s32 $0x40000, s4;
	s4 =	simm.s32 $0x2  }
0x7: {  	[tilespmem:s3], [sflag:$0x2] =	stream.linear.gather [hbm4b:s5+s3], $0x40, $0x38;
	[tilespmem:$0x100] =	vst v63  }
0x8: {  	s7 =	simm.s32 $0x80;
	s12 =	sshrl.u32 s11, $0x1;
	_ =	swait.ge [sflag:s4], $0x40  }
0x9: {  	s8 =	simm.s32 $0x1;
	s11 =	ssub.s32 s11, s12;
	[sflag:s4] =	ssyncset.done $0x0  }
0xa: {  	s6 =	simm.s32 $0x40;
	s31 =	smax.u32 s11, $0x1;
	[sflag:s4] =	ssyncadd.s32 $0xFFFFFFC0  }
0xb: {  	[tilespmem:s7], [sflag:$0x1] =	stream.indirect.gather [hbm4b:s2+s6], $0x1, s3, s6, $0xb8;
	[tilespmem:$0x100] =	vst v63  }
0xc: {  	p0 =	sne.s32 s31, $0x1;
	_ =	swait.ge [sflag:s8], $0x40  }
.Ltmp0:
0xd: {  	[sflag:s8] =	ssyncset.done $0x0;
	(pc) =	sbr.rel @!p0 .LBB2_2-.Ltmp0, $4  }
0xe: {  	s9 =	sadd.s32 s9, s10;
	[sflag:s8] =	ssyncadd.s32 $0xFFFFFFC0  }
0xf: {  	[hbm4b:s9+s3] =	stream.linear.scatter [tilespmem:s7], [sflag:$0x2], $0x40, $0x38;
	[tilespmem:$0x100] =	vst v63  }
0x10: {  	_ =	swait.ge [sflag:s4], $0x40  }
0x11: {  	s10 =	sadd.s32 $0xFFFFFFFF, s31;
	[sflag:s4] =	ssyncset.done $0x0  }
.LBB2_1:
0x12: {  	p0 =	sne.s32 s10, $0x1;
	s10 =	sadd.s32 $0xFFFFFFFF, s10;
	[sflag:s4] =	ssyncadd.s32 $0xFFFFFFC0  }
0x13: {  	[tilespmem:s3], [sflag:$0x2] =	stream.linear.gather [hbm4b:s5+s3], $0x40, $0x38;
	[tilespmem:$0x100] =	vst v63  }
0x14: {  	_ =	swait.ge [sflag:s4], $0x40  }
0x15: {  	[sflag:s4] =	ssyncset.done $0x0  }
0x16: {  	[sflag:s4] =	ssyncadd.s32 $0xFFFFFFC0  }
0x17: {  	[tilespmem:s7], [sflag:$0x1] =	stream.indirect.gather [hbm4b:s2+s6], $0x1, s3, s6, $0xb8;
	[tilespmem:$0x100] =	vst v63  }
0x18: {  	_ =	swait.ge [sflag:s8], $0x40  }
.Ltmp1:
0x19: {  	[sflag:s8] =	ssyncset.done $0x0;
	(pc) =	sbr.rel @p0 .LBB2_1-.Ltmp1, $4  }
0x1a: {  	[sflag:s8] =	ssyncadd.s32 $0xFFFFFFC0  }
0x1b: {  	[hbm4b:s9+s3] =	stream.linear.scatter [tilespmem:s7], [sflag:$0x2], $0x40, $0x38;
	[tilespmem:$0x100] =	vst v63  }
0x1c: {  	_ =	swait.ge [sflag:s4], $0x40  }
0x1d: {  	[sflag:s4] =	ssyncset.done $0x0  }
.LBB2_2:
0x1e: {  	[sflag:s4] =	ssyncadd.s32 $0xFFFFFFC0  }
0x1f: {  	_ =	sfence.sel $0x180000  }
0x20: {  	[bflag:$0x0] =	sbarrier.arrive $0xFFFF  }
0x21: {  	p0 =	sne.s32 s0, $0x0;
	_ =	strace $0x9000004A  }
0x22: {  	s0 =	sadd.s32 @!p0 $0x100000, s1;
	[bflag:$0x2] =	sbarrier.arrive $0xFFFF  }
0x23: {  	[sflag:s0] =	ssyncadd.tile.s32 @!p0 $0x1;
	_ =	shalt  }
.Lfunc_end2:
_tile_overlayer_lowered:
.L_overlay_start_2:
0x24: {  	(tag) =	ssettag $0x2  }
0x25: {  	s0 =	rddreg [dreg:$0x0];
	s2 =	stileid.u32  }
0x26: {  	s1 =	rddreg [dreg:$0x1];
	p0 =	sne.s32 s2, $0x0  }
0x27: {  	s3 =	rddreg [dreg:$0x2];
	[bflag:$0x3] =	sbarrier.arrive $0xFFFF;
	s2 =	simm.s32 @!p0 $0x1C02  }
0x28: {  	[timem:s3], [sflag:s2] =	dma.local @!p0 [hbm:s0], s1  }
0x29: {  	s0 =	simm.s32 @!p0 $0x2  }
0x2a: {  	_ =	swait.ge @!p0 [sflag:s0], s1  }
0x2b: {  	s1 =	ssub.s32 @!p0 $0x0, s1;
	[sflag:s0] =	ssyncset.done @!p0 $0x0  }
0x2c: {  	[sflag:s0] =	ssyncadd.s32 @!p0 s1  }
0x2d: {  	[bflag:$0x3] =	sbarrier.arrive $0xFFFF  }
0x2e: {  	_ =	shalt  }

</sc_bundles>
